<compile_context>
chip_gen: v7x
topology: tpu7x:2x2x1
jax: 0.10.2.dev20260603
libtpu: 0.0.44.dev20260713+nightly
codegen_flags: <defaults>
</compile_context>

<pallas_src>
import functools

import jax
import jax.numpy as jnp
from jax import lax
from jax.experimental import pallas as pl
from jax.experimental.pallas import tpu as pltpu
from jax.experimental.pallas import tpu_sc as plsc

N = 10000
E = 320000
D = 128
DH = D // 2

N_PAD = 10240
NC = 2
NS = 16
CHUNK = 128
E_PAD = 321536
NCH = E_PAD // (NS * CHUNK)
RPS = N_PAD // NS
NBUF = 6
GLEAD = 3
E_PADD = 323584
NCHD = E_PADD // (NC * NS * CHUNK)

_mesh = plsc.VectorSubcoreMesh(core_axis_name="c", subcore_axis_name="s")


DW = 16


def _deg_body(dst_hbm, zeros1_hbm, ones_hbm, out_hbm, dst_v, ones_v, acc_sh):
    cid = lax.axis_index("c")
    sid = lax.axis_index("s")
    pltpu.sync_copy(zeros1_hbm.at[pl.ds(sid * RPS, RPS)],
                    acc_sh.at[pl.ds(sid * RPS, RPS)])
    pltpu.sync_copy(ones_hbm, ones_v)
    pltpu.sync_copy(dst_hbm.at[cid * NS + sid], dst_v)
    plsc.subcore_barrier()

    def body(c, carry):
        pltpu.sync_copy(ones_v, acc_sh.at[dst_v.at[c]], add=True)
        return carry

    lax.fori_loop(0, NCHD, body, 0)
    plsc.subcore_barrier()
    pltpu.sync_copy(acc_sh.at[pl.ds(sid * RPS, RPS)],
                    out_hbm.at[cid].at[pl.ds(sid * RPS, RPS)])


def _make_deg_kernel(interpret=False):
    return functools.partial(
        pl.kernel,
        out_type=jax.ShapeDtypeStruct((NC, N_PAD, DW), jnp.float32),
        mesh=_mesh,
        interpret=interpret,
        compiler_params=pltpu.CompilerParams(use_tc_tiling_on_sc=False),
        scratch_types=[
            pltpu.VMEM((NCHD, CHUNK), jnp.int32),
            pltpu.VMEM((CHUNK, DW), jnp.float32),
            pltpu.VMEM_SHARED((N_PAD, DW), jnp.float32),
        ],
    )(_deg_body)


_deg_kernel = _make_deg_kernel()


def _agg_body(src_hbm, dst_hbm, u_hbm, zeros_hbm, out_hbm,
              src_v, dst_v, rows_v, acc_sh, gsem, ssem):
    cid = lax.axis_index("c")
    sid = lax.axis_index("s")
    pltpu.sync_copy(zeros_hbm.at[pl.ds(sid * RPS, RPS)],
                    acc_sh.at[pl.ds(sid * RPS, RPS)])
    pltpu.sync_copy(src_hbm.at[cid * NS + sid], src_v)
    pltpu.sync_copy(dst_hbm.at[sid], dst_v)
    plsc.subcore_barrier()

    for c0 in range(GLEAD):
        pltpu.async_copy(u_hbm.at[src_v.at[c0]], rows_v.at[c0], gsem)

    def body(c, carry):
        @pl.when(c >= GLEAD)
        def _():
            pltpu.make_async_copy(rows_v.at[(c - GLEAD) % NBUF],
                                  acc_sh.at[dst_v.at[c - GLEAD]], ssem).wait()
        pltpu.make_async_copy(u_hbm.at[src_v.at[c]],
                              rows_v.at[c % NBUF], gsem).wait()
        pltpu.async_copy(rows_v.at[c % NBUF],
                         acc_sh.at[dst_v.at[c]], ssem, add=True)

        @pl.when(c + GLEAD < NCH)
        def _():
            pltpu.async_copy(u_hbm.at[src_v.at[c + GLEAD]],
                             rows_v.at[(c + GLEAD) % NBUF], gsem)
        return carry

    lax.fori_loop(0, NCH, body, 0)
    for c0 in range(NCH - GLEAD, NCH):
        pltpu.make_async_copy(rows_v.at[c0 % NBUF],
                              acc_sh.at[dst_v.at[c0]], ssem).wait()
    plsc.subcore_barrier()
    pltpu.sync_copy(acc_sh.at[pl.ds(sid * RPS, RPS)],
                    out_hbm.at[cid].at[pl.ds(sid * RPS, RPS)])


def _make_agg_kernel(interpret=False):
    return functools.partial(
        pl.kernel,
        out_type=jax.ShapeDtypeStruct((NC, N_PAD, DH), jnp.float32),
        mesh=_mesh,
        interpret=interpret,
        compiler_params=pltpu.CompilerParams(use_tc_tiling_on_sc=False),
        scratch_types=[
            pltpu.VMEM((NCH, CHUNK), jnp.int32),
            pltpu.VMEM((NCH, CHUNK), jnp.int32),
            pltpu.VMEM((NBUF, CHUNK, DH), jnp.float32),
            pltpu.VMEM_SHARED((N_PAD, DH), jnp.float32),
            pltpu.SemaphoreType.DMA,
            pltpu.SemaphoreType.DMA,
        ],
    )(_agg_body)


_agg_kernel = _make_agg_kernel()


BR = 1280
GRID = N_PAD // BR


def _dinv_block(deg_blk):
    d = deg_blk[0, :, 0:1] + deg_blk[1, :, 0:1] + 1.0
    return lax.rsqrt(jnp.maximum(d, 1.0))


def _halves(agg_blk):
    return jnp.concatenate([agg_blk[0], agg_blk[1]], axis=1)


def _tc1a_body(x_ref, w1_ref, z1_ref):
    z1_ref[...] = jnp.dot(x_ref[...], w1_ref[...],
                          preferred_element_type=jnp.float32)


def _tc1b_body(z1_ref, deg_ref, u1_ref):
    u1_ref[...] = z1_ref[...] * _dinv_block(deg_ref[...])


def _tct_body(tf_ref, wt_ref, bt_ref, wfcb_ref, b2_ref, wfct_ref, bfc_ref,
              tpart_ref):
    tf = tf_ref[...]
    t = jnp.maximum(tf[:, 0:1] * wt_ref[0:1, :] + tf[:, 1:2] * wt_ref[1:2, :]
                    + bt_ref[...], 0.0)
    cvec = jnp.dot(b2_ref[...], wfct_ref[...],
                   preferred_element_type=jnp.float32) + bfc_ref[...]
    tpart_ref[...] = jnp.dot(t, wfcb_ref[...],
                             preferred_element_type=jnp.float32) + cvec


def _tc2_body(agg_ref, u1_ref, deg_ref, b1_ref, w2_ref, wfct_ref, u2_ref):
    dinv = _dinv_block(deg_ref[...])
    s = _halves(agg_ref[...]) + u1_ref[...]
    h1 = jnp.maximum(s * dinv + b1_ref[...], 0.0)
    w2p = jnp.dot(w2_ref[...], wfct_ref[...], preferred_element_type=jnp.float32)
    u2_ref[...] = jnp.dot(h1, w2p, preferred_element_type=jnp.float32) * dinv


def _tc3_body(agg_ref, u2_ref, deg_ref, tpart_ref, out_ref):
    dinv = _dinv_block(deg_ref[...])
    out_ref[...] = (_halves(agg_ref[...]) + u2_ref[...]) * dinv + tpart_ref[...]


def _row_spec(width, rows=BR):
    return pl.BlockSpec((rows, width), lambda i: (i, 0))


_FULL = lambda shape: pl.BlockSpec(shape, lambda i: tuple(0 for _ in shape))
_DEG_SPEC = pl.BlockSpec((NC, BR, DW), lambda i: (0, i, 0))
_AGG_SPEC = pl.BlockSpec((NC, BR, DH), lambda i: (0, i, 0))
BR3 = 1000
GRID3 = N // BR3
_DEG3 = pl.BlockSpec((NC, BR3, DW), lambda i: (0, i, 0))
_AGG3 = pl.BlockSpec((NC, BR3, DH), lambda i: (0, i, 0))


def kernel(x, edge_index, time_features, W1, b1, W2, b2, Wt, bt, Wfc, bfc):
    f32 = jnp.float32
    x = x.astype(f32)
    ei = edge_index.astype(jnp.int32)
    pad_ids = N + (jnp.arange(E_PAD - E, dtype=jnp.int32) % (N_PAD - N))
    src_flat = jnp.concatenate([ei[0], pad_ids])
    src_p = jnp.stack([2 * src_flat, 2 * src_flat + 1]).reshape(NC * NS, NCH, CHUNK)
    dst_p = jnp.concatenate([ei[1], pad_ids]).reshape(NS, NCH, CHUNK)
    pad_d = N + (jnp.arange(E_PADD - E, dtype=jnp.int32) % (N_PAD - N))
    dst_d = jnp.concatenate([ei[1], pad_d]).reshape(NC * NS, NCHD, CHUNK)
    x_p = jnp.pad(x, ((0, N_PAD - N), (0, 0)))
    tf_p = jnp.pad(time_features.astype(f32), ((0, N_PAD - N), (0, 0)))
    zeros_h = jnp.zeros((N_PAD, DH), f32)
    zeros1 = jnp.zeros((N_PAD, DW), f32)
    ones_c = jnp.ones((CHUNK, DW), f32)

    def stack_halves(u):
        return u.reshape(2 * N_PAD, DH)

    degp = _deg_kernel(dst_d, zeros1, ones_c)

    tc1a = pl.pallas_call(
        _tc1a_body,
        grid=(GRID,),
        in_specs=[_row_spec(D), _FULL((D, D))],
        out_specs=_row_spec(D),
        out_shape=jax.ShapeDtypeStruct((N_PAD, D), f32),
    )
    z1 = tc1a(x_p, W1.astype(f32))

    tc1b = pl.pallas_call(
        _tc1b_body,
        grid=(GRID,),
        in_specs=[_row_spec(D), _DEG_SPEC],
        out_specs=_row_spec(D),
        out_shape=jax.ShapeDtypeStruct((N_PAD, D), f32),
    )
    u1 = tc1b(z1, degp)

    tct = pl.pallas_call(
        _tct_body,
        grid=(GRID,),
        in_specs=[_row_spec(2), _FULL((2, D)), _FULL((1, D)), _FULL((D, D)),
                  _FULL((1, D)), _FULL((D, D)), _FULL((1, D))],
        out_specs=_row_spec(D),
        out_shape=jax.ShapeDtypeStruct((N_PAD, D), f32),
    )
    tpart = tct(tf_p, Wt.astype(f32), bt.astype(f32).reshape(1, D),
                Wfc[D:].astype(f32), b2.astype(f32).reshape(1, D),
                Wfc[:D].astype(f32), bfc.astype(f32).reshape(1, D))

    agg1 = _agg_kernel(src_p, dst_p, stack_halves(u1), zeros_h)

    tc2 = pl.pallas_call(
        _tc2_body,
        grid=(GRID,),
        in_specs=[_AGG_SPEC, _row_spec(D), _DEG_SPEC,
                  _FULL((1, D)), _FULL((D, D)), _FULL((D, D))],
        out_specs=_row_spec(D),
        out_shape=jax.ShapeDtypeStruct((N_PAD, D), f32),
    )
    u2 = tc2(agg1, u1, degp, b1.astype(f32).reshape(1, D),
             W2.astype(f32), Wfc[:D].astype(f32))

    agg2 = _agg_kernel(src_p, dst_p, stack_halves(u2), zeros_h)

    tc3 = pl.pallas_call(
        _tc3_body,
        grid=(GRID3,),
        in_specs=[_AGG3, _row_spec(D, BR3), _DEG3, _row_spec(D, BR3)],
        out_specs=_row_spec(D, BR3),
        out_shape=jax.ShapeDtypeStruct((N, D), f32),
    )
    return tc3(agg2, u2, degp, tpart)

# --- scband reference (transcript-rebuilt; emitter-appended) ---
"""Pipeline reference for scband-demand-prediction-model-43920335569133 (READ-ONLY COPY).

The authoritative reference and input builder live on the scoring server;
editing this copy changes nothing except your own understanding.
"""

import jax, jax.numpy as jnp
import numpy as np

N_NODES = 10000
N_EDGES = 320000
D_IN = 128
D_HID = 128
D_OUT = 128


def gcn_conv(x, edge_index, W, b):
    # Faithful GCNConv: linear transform, add self-loops, symmetric normalization, scatter-add aggregate, bias.
    N = x.shape[0]
    h = x @ W
    loop = jnp.arange(N, dtype=edge_index.dtype)
    src = jnp.concatenate([edge_index[0], loop])
    dst = jnp.concatenate([edge_index[1], loop])
    deg = jnp.zeros((N,), dtype=h.dtype).at[dst].add(1.0)
    dinv = 1.0 / jnp.sqrt(jnp.clip(deg, 1.0))
    norm = dinv[src] * dinv[dst]
    msgs = h[src] * norm[:, None]
    out = jnp.zeros((N, W.shape[1]), dtype=h.dtype).at[dst].add(msgs)
    return out + b


def setup_inputs(seed: int = 0) -> dict:
    key = jax.random.key(seed)
    ks = jax.random.split(key, 12)
    x = jax.random.normal(ks[0], (N_NODES, D_IN), dtype=jnp.float32)
    edge_index = jax.random.randint(ks[1], (2, N_EDGES), 0, N_NODES, dtype=jnp.int64)
    time_features = jax.random.normal(ks[2], (N_NODES, 2), dtype=jnp.float32)
    W1 = jax.random.normal(ks[3], (D_IN, D_HID), dtype=jnp.float32) * (1.0 / np.sqrt(D_IN))
    b1 = jnp.zeros((D_HID,), dtype=jnp.float32)
    W2 = jax.random.normal(ks[4], (D_HID, D_HID), dtype=jnp.float32) * (1.0 / np.sqrt(D_HID))
    b2 = jnp.zeros((D_HID,), dtype=jnp.float32)
    Wt = jax.random.normal(ks[5], (2, D_HID), dtype=jnp.float32) * (1.0 / np.sqrt(2.0))
    bt = jnp.zeros((D_HID,), dtype=jnp.float32)
    Wfc = jax.random.normal(ks[6], (2 * D_HID, D_OUT), dtype=jnp.float32) * (1.0 / np.sqrt(2 * D_HID))
    bfc = jnp.zeros((D_OUT,), dtype=jnp.float32)
    return {"x": x, "edge_index": edge_index, "time_features": time_features,
            "W1": W1, "b1": b1, "W2": W2, "b2": b2,
            "Wt": Wt, "bt": bt, "Wfc": Wfc, "bfc": bfc}


def reference(x, edge_index, time_features, W1, b1, W2, b2, Wt, bt, Wfc, bfc):
    h = gcn_conv(x, edge_index, W1, b1)
    h = jax.nn.relu(h)
    h = gcn_conv(h, edge_index, W2, b2)
    t = jax.nn.relu(time_features @ Wt + bt)
    comb = jnp.concatenate([h, t], axis=1)
    return comb @ Wfc + bfc

if __name__ == "__main__":
    import jax
    _d = setup_inputs()
    print(jax.jit(kernel)(*tuple(_d.values())))

</pallas_src>

<mosaic_0001>
#map = affine_map<(d0, d1) -> (0, 0, 0)>
#map1 = affine_map<(d0, d1) -> (0, 0)>
module attributes {stable_mosaic.version = 14 : i64} {
  func.func @_agg_body(%arg0: i32, %arg1: i32, %arg2: memref<32x157x128xi32, #tpu.memory_space<hbm>>, %arg3: memref<16x157x128xi32, #tpu.memory_space<hbm>>, %arg4: memref<20480x64xf32, #tpu.memory_space<hbm>>, %arg5: memref<10240x64xf32, #tpu.memory_space<hbm>>, %arg6: memref<2x10240x64xf32, #tpu.memory_space<hbm>>, %arg7: memref<157x128xi32, #tpu.memory_space<vmem>>, %arg8: memref<157x128xi32, #tpu.memory_space<vmem>>, %arg9: memref<6x128x64xf32, #tpu.memory_space<vmem>>, %arg10: memref<10240x64xf32, #tpu.memory_space<vmem_shared>>, %arg11: memref<!tpu.dma_semaphore, #tpu.memory_space<semaphore_mem>>, %arg12: memref<!tpu.dma_semaphore, #tpu.memory_space<semaphore_mem>>) attributes {dimension_semantics = [#tpu.dimension_semantics<core_parallel>, #tpu.dimension_semantics<subcore_parallel>], iteration_bounds = array<i64: 2, 16>, scalar_prefetch = 0 : i64, scratch_operands = 6 : i64, tpu.core_type = #tpu.core_type<sc_vector_subcore>, window_params = [{transform_indices = #map}, {transform_indices = #map}, {transform_indices = #map1}, {transform_indices = #map1}, {transform_indices = #map}]} {
    %mul3A = arith.constant 640 : i32
    %mul3A_0 = arith.muli %arg1, %mul3A : i32
    %mul3A_1 = arith.constant 640 : i32
    %mul3A_2 = arith.muli %arg1, %mul3A_1 : i32
    "tpu.region"() ({
      %run_scoped3A = tpu.sem_alloc : memref<!tpu.dma_semaphore, #tpu.memory_space<semaphore_mem>>
      %dma_start3A_85 = arith.constant 0 : i32
      %dma_start3A_86 = tpu.memref_slice %arg10[%mul3A_2, %dma_start3A_85] : memref<10240x64xf32, #tpu.memory_space<vmem_shared>> -> memref<640x64xf32, #tpu.memory_space<vmem_shared>>
      %dma_start3A_87 = arith.constant 0 : i32
      %dma_start3A_88 = tpu.memref_slice %arg5[%mul3A_0, %dma_start3A_87] : memref<10240x64xf32, #tpu.memory_space<hbm>> -> memref<640x64xf32, #tpu.memory_space<hbm>>
      tpu.enqueue_dma source(%dma_start3A_88 : memref<640x64xf32, #tpu.memory_space<hbm>>) target(%dma_start3A_86 : memref<640x64xf32, #tpu.memory_space<vmem_shared>>) target_semaphore(%run_scoped3A : memref<!tpu.dma_semaphore, #tpu.memory_space<semaphore_mem>>)
      %dma_wait3A_89 = arith.constant 0 : i32
      %dma_wait3A_90 = tpu.memref_slice %arg10[%mul3A_2, %dma_wait3A_89] : memref<10240x64xf32, #tpu.memory_space<vmem_shared>> -> memref<640x64xf32, #tpu.memory_space<vmem_shared>>
      %dma_wait3A_91 = arith.constant 0 : i32
      %dma_wait3A_92 = tpu.memref_slice %arg5[%mul3A_0, %dma_wait3A_91] : memref<10240x64xf32, #tpu.memory_space<hbm>> -> memref<640x64xf32, #tpu.memory_space<hbm>>
      tpu.wait_dma2 semaphore(%run_scoped3A : memref<!tpu.dma_semaphore, #tpu.memory_space<semaphore_mem>>) src(%dma_wait3A_92 : memref<640x64xf32, #tpu.memory_space<hbm>>) dst(%dma_wait3A_90 : memref<640x64xf32, #tpu.memory_space<vmem_shared>>)
      tpu.yield
    }) : () -> ()
    %mul3A_3 = arith.constant 16 : i32
    %mul3A_4 = arith.muli %arg0, %mul3A_3 : i32
    %add3A = arith.addi %mul3A_4, %arg1 : i32
    "tpu.region"() ({
      %run_scoped3A = tpu.sem_alloc : memref<!tpu.dma_semaphore, #tpu.memory_space<semaphore_mem>>
      %dma_start3A_85 = arith.constant 0 : i32
      %dma_start3A_86 = arith.constant 0 : i32
      %dma_start3A_87 = tpu.memref_slice %arg2[%add3A, %dma_start3A_85, %dma_start3A_86] : memref<32x157x128xi32, #tpu.memory_space<hbm>> -> memref<1x157x128xi32, #tpu.memory_space<hbm>>
      %dma_start3A_88 = tpu.memref_squeeze %dma_start3A_87 : memref<1x157x128xi32, #tpu.memory_space<hbm>> -> memref<157x128xi32, #tpu.memory_space<hbm>>
      %dma_start3A_89 = arith.constant 0 : i32
      %dma_start3A_90 = arith.constant 0 : i32
      %dma_start3A_91 = tpu.memref_slice %arg2[%add3A, %dma_start3A_89, %dma_start3A_90] : memref<32x157x128xi32, #tpu.memory_space<hbm>> -> memref<1x157x128xi32, #tpu.memory_space<hbm>>
      %dma_start3A_92 = tpu.memref_squeeze %dma_start3A_91 : memref<1x157x128xi32, #tpu.memory_space<hbm>> -> memref<157x128xi32, #tpu.memory_space<hbm>>
      tpu.enqueue_dma source(%dma_start3A_92 : memref<157x128xi32, #tpu.memory_space<hbm>>) target(%arg7 : memref<157x128xi32, #tpu.memory_space<vmem>>) target_semaphore(%run_scoped3A : memref<!tpu.dma_semaphore, #tpu.memory_space<semaphore_mem>>)
      %dma_wait3A_93 = arith.constant 0 : i32
      %dma_wait3A_94 = arith.constant 0 : i32
      %dma_wait3A_95 = tpu.memref_slice %arg2[%add3A, %dma_wait3A_93, %dma_wait3A_94] : memref<32x157x128xi32, #tpu.memory_space<hbm>> -> memref<1x157x128xi32, #tpu.memory_space<hbm>>
      %dma_wait3A_96 = tpu.memref_squeeze %dma_wait3A_95 : memref<1x157x128xi32, #tpu.memory_space<hbm>> -> memref<157x128xi32, #tpu.memory_space<hbm>>
      %dma_wait3A_97 = arith.constant 0 : i32
      %dma_wait3A_98 = arith.constant 0 : i32
      %dma_wait3A_99 = tpu.memref_slice %arg2[%add3A, %dma_wait3A_97, %dma_wait3A_98] : memref<32x157x128xi32, #tpu.memory_space<hbm>> -> memref<1x157x128xi32, #tpu.memory_space<hbm>>
      %dma_wait3A_100 = tpu.memref_squeeze %dma_wait3A_99 : memref<1x157x128xi32, #tpu.memory_space<hbm>> -> memref<157x128xi32, #tpu.memory_space<hbm>>
      tpu.wait_dma2 semaphore(%run_scoped3A : memref<!tpu.dma_semaphore, #tpu.memory_space<semaphore_mem>>) src(%dma_wait3A_100 : memref<157x128xi32, #tpu.memory_space<hbm>>) dst(%arg7 : memref<157x128xi32, #tpu.memory_space<vmem>>)
      tpu.yield
    }) : () -> ()
    "tpu.region"() ({
      %run_scoped3A = tpu.sem_alloc : memref<!tpu.dma_semaphore, #tpu.memory_space<semaphore_mem>>
      %dma_start3A_85 = arith.constant 0 : i32
      %dma_start3A_86 = arith.constant 0 : i32
      %dma_start3A_87 = tpu.memref_slice %arg3[%arg1, %dma_start3A_85, %dma_start3A_86] : memref<16x157x128xi32, #tpu.memory_space<hbm>> -> memref<1x157x128xi32, #tpu.memory_space<hbm>>
      %dma_start3A_88 = tpu.memref_squeeze %dma_start3A_87 : memref<1x157x128xi32, #tpu.memory_space<hbm>> -> memref<157x128xi32, #tpu.memory_space<hbm>>
      %dma_start3A_89 = arith.constant 0 : i32
      %dma_start3A_90 = arith.constant 0 : i32
      %dma_start3A_91 = tpu.memref_slice %arg3[%arg1, %dma_start3A_89, %dma_start3A_90] : memref<16x157x128xi32, #tpu.memory_space<hbm>> -> memref<1x157x128xi32, #tpu.memory_space<hbm>>
      %dma_start3A_92 = tpu.memref_squeeze %dma_start3A_91 : memref<1x157x128xi32, #tpu.memory_space<hbm>> -> memref<157x128xi32, #tpu.memory_space<hbm>>
      tpu.enqueue_dma source(%dma_start3A_92 : memref<157x128xi32, #tpu.memory_space<hbm>>) target(%arg8 : memref<157x128xi32, #tpu.memory_space<vmem>>) target_semaphore(%run_scoped3A : memref<!tpu.dma_semaphore, #tpu.memory_space<semaphore_mem>>)
      %dma_wait3A_93 = arith.constant 0 : i32
      %dma_wait3A_94 = arith.constant 0 : i32
      %dma_wait3A_95 = tpu.memref_slice %arg3[%arg1, %dma_wait3A_93, %dma_wait3A_94] : memref<16x157x128xi32, #tpu.memory_space<hbm>> -> memref<1x157x128xi32, #tpu.memory_space<hbm>>
      %dma_wait3A_96 = tpu.memref_squeeze %dma_wait3A_95 : memref<1x157x128xi32, #tpu.memory_space<hbm>> -> memref<157x128xi32, #tpu.memory_space<hbm>>
      %dma_wait3A_97 = arith.constant 0 : i32
      %dma_wait3A_98 = arith.constant 0 : i32
      %dma_wait3A_99 = tpu.memref_slice %arg3[%arg1, %dma_wait3A_97, %dma_wait3A_98] : memref<16x157x128xi32, #tpu.memory_space<hbm>> -> memref<1x157x128xi32, #tpu.memory_space<hbm>>
      %dma_wait3A_100 = tpu.memref_squeeze %dma_wait3A_99 : memref<1x157x128xi32, #tpu.memory_space<hbm>> -> memref<157x128xi32, #tpu.memory_space<hbm>>
      tpu.wait_dma2 semaphore(%run_scoped3A : memref<!tpu.dma_semaphore, #tpu.memory_space<semaphore_mem>>) src(%dma_wait3A_100 : memref<157x128xi32, #tpu.memory_space<hbm>>) dst(%arg8 : memref<157x128xi32, #tpu.memory_space<vmem>>)
      tpu.yield
    }) : () -> ()
    %barrier3A = arith.constant 0 : index
    tpu.barrier barrier_id(%barrier3A)
    %dma_start3A = arith.constant 0 : i32
    %dma_start3A_5 = arith.constant 0 : i32
    %dma_start3A_6 = arith.constant 0 : i32
    %dma_start3A_7 = arith.constant 0 : i32
    %dma_start3A_8 = tpu.memref_slice %arg9[%dma_start3A_5, %dma_start3A_6, %dma_start3A_7] : memref<6x128x64xf32, #tpu.memory_space<vmem>> -> memref<1x128x64xf32, #tpu.memory_space<vmem>>
    %dma_start3A_9 = tpu.memref_squeeze %dma_start3A_8 : memref<1x128x64xf32, #tpu.memory_space<vmem>> -> memref<128x64xf32, #tpu.memory_space<vmem>>
    %dma_start3A_10 = arith.constant 0 : i32
    %dma_start3A_11 = tpu.memref_slice %arg7[%dma_start3A, %dma_start3A_10] : memref<157x128xi32, #tpu.memory_space<vmem>> -> memref<1x128xi32, #tpu.memory_space<vmem>>
    %dma_start3A_12 = tpu.memref_squeeze %dma_start3A_11 : memref<1x128xi32, #tpu.memory_space<vmem>> -> memref<128xi32, #tpu.memory_space<vmem>>
    %dma_start3A_13 = arith.constant 0 : i32
    %dma_start3A_14 = arith.constant 0 : i32
    %dma_start3A_15 = tpu.memref_slice %arg4[%dma_start3A_13, %dma_start3A_14] : memref<20480x64xf32, #tpu.memory_space<hbm>> -> memref<20480x64xf32, #tpu.memory_space<hbm>>
    tpu.enqueue_indirect_dma source(%dma_start3A_15 : memref<20480x64xf32, #tpu.memory_space<hbm>>) target(%dma_start3A_9 : memref<128x64xf32, #tpu.memory_space<vmem>>) offsets(%dma_start3A_12 : memref<128xi32, #tpu.memory_space<vmem>>) semaphore(%arg11 : memref<!tpu.dma_semaphore, #tpu.memory_space<semaphore_mem>>)
    %dma_start3A_16 = arith.constant 1 : i32
    %dma_start3A_17 = arith.constant 1 : i32
    %dma_start3A_18 = arith.constant 0 : i32
    %dma_start3A_19 = arith.constant 0 : i32
    %dma_start3A_20 = tpu.memref_slice %arg9[%dma_start3A_17, %dma_start3A_18, %dma_start3A_19] : memref<6x128x64xf32, #tpu.memory_space<vmem>> -> memref<1x128x64xf32, #tpu.memory_space<vmem>>
    %dma_start3A_21 = tpu.memref_squeeze %dma_start3A_20 : memref<1x128x64xf32, #tpu.memory_space<vmem>> -> memref<128x64xf32, #tpu.memory_space<vmem>>
    %dma_start3A_22 = arith.constant 0 : i32
    %dma_start3A_23 = tpu.memref_slice %arg7[%dma_start3A_16, %dma_start3A_22] : memref<157x128xi32, #tpu.memory_space<vmem>> -> memref<1x128xi32, #tpu.memory_space<vmem>>
    %dma_start3A_24 = tpu.memref_squeeze %dma_start3A_23 : memref<1x128xi32, #tpu.memory_space<vmem>> -> memref<128xi32, #tpu.memory_space<vmem>>
    %dma_start3A_25 = arith.constant 0 : i32
    %dma_start3A_26 = arith.constant 0 : i32
    %dma_start3A_27 = tpu.memref_slice %arg4[%dma_start3A_25, %dma_start3A_26] : memref<20480x64xf32, #tpu.memory_space<hbm>> -> memref<20480x64xf32, #tpu.memory_space<hbm>>
    tpu.enqueue_indirect_dma source(%dma_start3A_27 : memref<20480x64xf32, #tpu.memory_space<hbm>>) target(%dma_start3A_21 : memref<128x64xf32, #tpu.memory_space<vmem>>) offsets(%dma_start3A_24 : memref<128xi32, #tpu.memory_space<vmem>>) semaphore(%arg11 : memref<!tpu.dma_semaphore, #tpu.memory_space<semaphore_mem>>)
    %dma_start3A_28 = arith.constant 2 : i32
    %dma_start3A_29 = arith.constant 2 : i32
    %dma_start3A_30 = arith.constant 0 : i32
    %dma_start3A_31 = arith.constant 0 : i32
    %dma_start3A_32 = tpu.memref_slice %arg9[%dma_start3A_29, %dma_start3A_30, %dma_start3A_31] : memref<6x128x64xf32, #tpu.memory_space<vmem>> -> memref<1x128x64xf32, #tpu.memory_space<vmem>>
    %dma_start3A_33 = tpu.memref_squeeze %dma_start3A_32 : memref<1x128x64xf32, #tpu.memory_space<vmem>> -> memref<128x64xf32, #tpu.memory_space<vmem>>
    %dma_start3A_34 = arith.constant 0 : i32
    %dma_start3A_35 = tpu.memref_slice %arg7[%dma_start3A_28, %dma_start3A_34] : memref<157x128xi32, #tpu.memory_space<vmem>> -> memref<1x128xi32, #tpu.memory_space<vmem>>
    %dma_start3A_36 = tpu.memref_squeeze %dma_start3A_35 : memref<1x128xi32, #tpu.memory_space<vmem>> -> memref<128xi32, #tpu.memory_space<vmem>>
    %dma_start3A_37 = arith.constant 0 : i32
    %dma_start3A_38 = arith.constant 0 : i32
    %dma_start3A_39 = tpu.memref_slice %arg4[%dma_start3A_37, %dma_start3A_38] : memref<20480x64xf32, #tpu.memory_space<hbm>> -> memref<20480x64xf32, #tpu.memory_space<hbm>>
    tpu.enqueue_indirect_dma source(%dma_start3A_39 : memref<20480x64xf32, #tpu.memory_space<hbm>>) target(%dma_start3A_33 : memref<128x64xf32, #tpu.memory_space<vmem>>) offsets(%dma_start3A_36 : memref<128xi32, #tpu.memory_space<vmem>>) semaphore(%arg11 : memref<!tpu.dma_semaphore, #tpu.memory_space<semaphore_mem>>)
    %scan3A = arith.constant 0 : i32
    %scan3A_40 = arith.constant 0 : i32
    %scan3A_41 = arith.constant 157 : i32
    %scan3A_42 = arith.addi %scan3A_40, %scan3A_41 : i32
    %scan3A_43 = arith.constant 1 : i32
    scf.for %scan3A_85 = %scan3A_40 to %scan3A_42 step %scan3A_43  : i32 {
      %ge3A = arith.constant 3 : i32
      %ge3A_86 = arith.cmpi sge, %scan3A_85, %ge3A : i32
      %convert_element_type3A = arith.extui %ge3A_86 : i1 to i32
      %cond3A = arith.constant 0 : i32
      %cond3A_87 = arith.cmpi ne, %convert_element_type3A, %cond3A : i32
      scf.if %cond3A_87 {
        %sub3A = arith.constant 3 : i32
        %sub3A_140 = arith.subi %scan3A_85, %sub3A : i32
        %jit3A_141 = arith.constant 6 : i32
        %eq3A_142 = arith.constant 0 : i32
        %eq3A_143 = arith.cmpi eq, %jit3A_141, %eq3A_142 : i32
        %jit3A_144 = arith.constant 1 : i32
        %select_n3A_145 = arith.select %eq3A_143, %jit3A_144, %jit3A_141 : i32
        %rem3A_146 = arith.remsi %sub3A_140, %select_n3A_145 : i32
        %ne3A_147 = arith.constant 0 : i32
        %ne3A_148 = arith.cmpi ne, %rem3A_146, %ne3A_147 : i32
        %lt3A_149 = arith.constant 0 : i32
        %lt3A_150 = arith.cmpi slt, %rem3A_146, %lt3A_149 : i32
        %lt3A_151 = arith.constant 0 : i32
        %lt3A_152 = arith.cmpi slt, %select_n3A_145, %lt3A_151 : i32
        %ne3A_153 = arith.xori %lt3A_150, %lt3A_152 : i1
        %and3A_154 = arith.andi %ne3A_153, %ne3A_148 : i1
        %add3A_155 = arith.addi %rem3A_146, %select_n3A_145 : i32
        %select_n3A_156 = arith.select %and3A_154, %add3A_155, %rem3A_146 : i32
        %sub3A_157 = arith.constant 3 : i32
        %sub3A_158 = arith.subi %scan3A_85, %sub3A_157 : i32
        %dma_wait3A_159 = arith.constant 0 : i32
        %dma_wait3A_160 = arith.constant 0 : i32
        %dma_wait3A_161 = tpu.memref_slice %arg9[%select_n3A_156, %dma_wait3A_159, %dma_wait3A_160] : memref<6x128x64xf32, #tpu.memory_space<vmem>> -> memref<1x128x64xf32, #tpu.memory_space<vmem>>
        %dma_wait3A_162 = tpu.memref_squeeze %dma_wait3A_161 : memref<1x128x64xf32, #tpu.memory_space<vmem>> -> memref<128x64xf32, #tpu.memory_space<vmem>>
        %dma_wait3A_163 = arith.constant 0 : i32
        %dma_wait3A_164 = tpu.memref_slice %arg8[%sub3A_158, %dma_wait3A_163] : memref<157x128xi32, #tpu.memory_space<vmem>> -> memref<1x128xi32, #tpu.memory_space<vmem>>
        %dma_wait3A_165 = tpu.memref_squeeze %dma_wait3A_164 : memref<1x128xi32, #tpu.memory_space<vmem>> -> memref<128xi32, #tpu.memory_space<vmem>>
        %dma_wait3A_166 = arith.constant 0 : i32
        %dma_wait3A_167 = arith.constant 0 : i32
        %dma_wait3A_168 = tpu.memref_slice %arg10[%dma_wait3A_166, %dma_wait3A_167] : memref<10240x64xf32, #tpu.memory_space<vmem_shared>> -> memref<10240x64xf32, #tpu.memory_space<vmem_shared>>
        tpu.wait_indirect_dma semaphore(%arg12 : memref<!tpu.dma_semaphore, #tpu.memory_space<semaphore_mem>>) src(%dma_wait3A_162 : memref<128x64xf32, #tpu.memory_space<vmem>>) dst(%dma_wait3A_168 : memref<10240x64xf32, #tpu.memory_space<vmem_shared>>)
      } else {
      }
      %jit3A = arith.constant 6 : i32
      %eq3A = arith.constant 0 : i32
      %eq3A_88 = arith.cmpi eq, %jit3A, %eq3A : i32
      %jit3A_89 = arith.constant 1 : i32
      %select_n3A = arith.select %eq3A_88, %jit3A_89, %jit3A : i32
      %rem3A = arith.remsi %scan3A_85, %select_n3A : i32
      %ne3A = arith.constant 0 : i32
      %ne3A_90 = arith.cmpi ne, %rem3A, %ne3A : i32
      %lt3A = arith.constant 0 : i32
      %lt3A_91 = arith.cmpi slt, %rem3A, %lt3A : i32
      %lt3A_92 = arith.constant 0 : i32
      %lt3A_93 = arith.cmpi slt, %select_n3A, %lt3A_92 : i32
      %ne3A_94 = arith.xori %lt3A_91, %lt3A_93 : i1
      %and3A = arith.andi %ne3A_94, %ne3A_90 : i1
      %add3A_95 = arith.addi %rem3A, %select_n3A : i32
      %select_n3A_96 = arith.select %and3A, %add3A_95, %rem3A : i32
      %dma_wait3A_97 = arith.constant 0 : i32
      %dma_wait3A_98 = arith.constant 0 : i32
      %dma_wait3A_99 = tpu.memref_slice %arg9[%select_n3A_96, %dma_wait3A_97, %dma_wait3A_98] : memref<6x128x64xf32, #tpu.memory_space<vmem>> -> memref<1x128x64xf32, #tpu.memory_space<vmem>>
      %dma_wait3A_100 = tpu.memref_squeeze %dma_wait3A_99 : memref<1x128x64xf32, #tpu.memory_space<vmem>> -> memref<128x64xf32, #tpu.memory_space<vmem>>
      %dma_wait3A_101 = arith.constant 0 : i32
      %dma_wait3A_102 = tpu.memref_slice %arg7[%scan3A_85, %dma_wait3A_101] : memref<157x128xi32, #tpu.memory_space<vmem>> -> memref<1x128xi32, #tpu.memory_space<vmem>>
      %dma_wait3A_103 = tpu.memref_squeeze %dma_wait3A_102 : memref<1x128xi32, #tpu.memory_space<vmem>> -> memref<128xi32, #tpu.memory_space<vmem>>
      %dma_wait3A_104 = arith.constant 0 : i32
      %dma_wait3A_105 = arith.constant 0 : i32
      %dma_wait3A_106 = tpu.memref_slice %arg4[%dma_wait3A_104, %dma_wait3A_105] : memref<20480x64xf32, #tpu.memory_space<hbm>> -> memref<20480x64xf32, #tpu.memory_space<hbm>>
      tpu.wait_indirect_dma semaphore(%arg11 : memref<!tpu.dma_semaphore, #tpu.memory_space<semaphore_mem>>) src(%dma_wait3A_106 : memref<20480x64xf32, #tpu.memory_space<hbm>>) dst(%dma_wait3A_100 : memref<128x64xf32, #tpu.memory_space<vmem>>)
      %jit3A_107 = arith.constant 6 : i32
      %eq3A_108 = arith.constant 0 : i32
      %eq3A_109 = arith.cmpi eq, %jit3A_107, %eq3A_108 : i32
      %jit3A_110 = arith.constant 1 : i32
      %select_n3A_111 = arith.select %eq3A_109, %jit3A_110, %jit3A_107 : i32
      %rem3A_112 = arith.remsi %scan3A_85, %select_n3A_111 : i32
      %ne3A_113 = arith.constant 0 : i32
      %ne3A_114 = arith.cmpi ne, %rem3A_112, %ne3A_113 : i32
      %lt3A_115 = arith.constant 0 : i32
      %lt3A_116 = arith.cmpi slt, %rem3A_112, %lt3A_115 : i32
      %lt3A_117 = arith.constant 0 : i32
      %lt3A_118 = arith.cmpi slt, %select_n3A_111, %lt3A_117 : i32
      %ne3A_119 = arith.xori %lt3A_116, %lt3A_118 : i1
      %and3A_120 = arith.andi %ne3A_119, %ne3A_114 : i1
      %add3A_121 = arith.addi %rem3A_112, %select_n3A_111 : i32
      %select_n3A_122 = arith.select %and3A_120, %add3A_121, %rem3A_112 : i32
      %dma_start3A_123 = arith.constant 0 : i32
      %dma_start3A_124 = arith.constant 0 : i32
      %dma_start3A_125 = tpu.memref_slice %arg9[%select_n3A_122, %dma_start3A_123, %dma_start3A_124] : memref<6x128x64xf32, #tpu.memory_space<vmem>> -> memref<1x128x64xf32, #tpu.memory_space<vmem>>
      %dma_start3A_126 = tpu.memref_squeeze %dma_start3A_125 : memref<1x128x64xf32, #tpu.memory_space<vmem>> -> memref<128x64xf32, #tpu.memory_space<vmem>>
      %dma_start3A_127 = arith.constant 0 : i32
      %dma_start3A_128 = tpu.memref_slice %arg8[%scan3A_85, %dma_start3A_127] : memref<157x128xi32, #tpu.memory_space<vmem>> -> memref<1x128xi32, #tpu.memory_space<vmem>>
      %dma_start3A_129 = tpu.memref_squeeze %dma_start3A_128 : memref<1x128xi32, #tpu.memory_space<vmem>> -> memref<128xi32, #tpu.memory_space<vmem>>
      %dma_start3A_130 = arith.constant 0 : i32
      %dma_start3A_131 = arith.constant 0 : i32
      %dma_start3A_132 = tpu.memref_slice %arg10[%dma_start3A_130, %dma_start3A_131] : memref<10240x64xf32, #tpu.memory_space<vmem_shared>> -> memref<10240x64xf32, #tpu.memory_space<vmem_shared>>
      tpu.enqueue_indirect_dma source(%dma_start3A_126 : memref<128x64xf32, #tpu.memory_space<vmem>>) target(%dma_start3A_132 : memref<10240x64xf32, #tpu.memory_space<vmem_shared>>) offsets(%dma_start3A_129 : memref<128xi32, #tpu.memory_space<vmem>>) semaphore(%arg12 : memref<!tpu.dma_semaphore, #tpu.memory_space<semaphore_mem>>) {add = true}
      %add3A_133 = arith.constant 3 : i32
      %add3A_134 = arith.addi %scan3A_85, %add3A_133 : i32
      %lt3A_135 = arith.constant 157 : i32
      %lt3A_136 = arith.cmpi slt, %add3A_134, %lt3A_135 : i32
      %convert_element_type3A_137 = arith.extui %lt3A_136 : i1 to i32
      %cond3A_138 = arith.constant 0 : i32
      %cond3A_139 = arith.cmpi ne, %convert_element_type3A_137, %cond3A_138 : i32
      scf.if %cond3A_139 {
        %add3A_140 = arith.constant 3 : i32
        %add3A_141 = arith.addi %scan3A_85, %add3A_140 : i32
        %add3A_142 = arith.constant 3 : i32
        %add3A_143 = arith.addi %scan3A_85, %add3A_142 : i32
        %jit3A_144 = arith.constant 6 : i32
        %eq3A_145 = arith.constant 0 : i32
        %eq3A_146 = arith.cmpi eq, %jit3A_144, %eq3A_145 : i32
        %jit3A_147 = arith.constant 1 : i32
        %select_n3A_148 = arith.select %eq3A_146, %jit3A_147, %jit3A_144 : i32
        %rem3A_149 = arith.remsi %add3A_143, %select_n3A_148 : i32
        %ne3A_150 = arith.constant 0 : i32
        %ne3A_151 = arith.cmpi ne, %rem3A_149, %ne3A_150 : i32
        %lt3A_152 = arith.constant 0 : i32
        %lt3A_153 = arith.cmpi slt, %rem3A_149, %lt3A_152 : i32
        %lt3A_154 = arith.constant 0 : i32
        %lt3A_155 = arith.cmpi slt, %select_n3A_148, %lt3A_154 : i32
        %ne3A_156 = arith.xori %lt3A_153, %lt3A_155 : i1
        %and3A_157 = arith.andi %ne3A_156, %ne3A_151 : i1
        %add3A_158 = arith.addi %rem3A_149, %select_n3A_148 : i32
        %select_n3A_159 = arith.select %and3A_157, %add3A_158, %rem3A_149 : i32
        %dma_start3A_160 = arith.constant 0 : i32
        %dma_start3A_161 = arith.constant 0 : i32
        %dma_start3A_162 = tpu.memref_slice %arg9[%select_n3A_159, %dma_start3A_160, %dma_start3A_161] : memref<6x128x64xf32, #tpu.memory_space<vmem>> -> memref<1x128x64xf32, #tpu.memory_space<vmem>>
        %dma_start3A_163 = tpu.memref_squeeze %dma_start3A_162 : memref<1x128x64xf32, #tpu.memory_space<vmem>> -> memref<128x64xf32, #tpu.memory_space<vmem>>
        %dma_start3A_164 = arith.constant 0 : i32
        %dma_start3A_165 = tpu.memref_slice %arg7[%add3A_141, %dma_start3A_164] : memref<157x128xi32, #tpu.memory_space<vmem>> -> memref<1x128xi32, #tpu.memory_space<vmem>>
        %dma_start3A_166 = tpu.memref_squeeze %dma_start3A_165 : memref<1x128xi32, #tpu.memory_space<vmem>> -> memref<128xi32, #tpu.memory_space<vmem>>
        %dma_start3A_167 = arith.constant 0 : i32
        %dma_start3A_168 = arith.constant 0 : i32
        %dma_start3A_169 = tpu.memref_slice %arg4[%dma_start3A_167, %dma_start3A_168] : memref<20480x64xf32, #tpu.memory_space<hbm>> -> memref<20480x64xf32, #tpu.memory_space<hbm>>
        tpu.enqueue_indirect_dma source(%dma_start3A_169 : memref<20480x64xf32, #tpu.memory_space<hbm>>) target(%dma_start3A_163 : memref<128x64xf32, #tpu.memory_space<vmem>>) offsets(%dma_start3A_166 : memref<128xi32, #tpu.memory_space<vmem>>) semaphore(%arg11 : memref<!tpu.dma_semaphore, #tpu.memory_space<semaphore_mem>>)
      } else {
      }
    }
    %scan3A_44 = arith.constant 157 : i32
    %dma_wait3A = arith.constant 4 : i32
    %dma_wait3A_45 = arith.constant 154 : i32
    %dma_wait3A_46 = arith.constant 0 : i32
    %dma_wait3A_47 = arith.constant 0 : i32
    %dma_wait3A_48 = tpu.memref_slice %arg9[%dma_wait3A, %dma_wait3A_46, %dma_wait3A_47] : memref<6x128x64xf32, #tpu.memory_space<vmem>> -> memref<1x128x64xf32, #tpu.memory_space<vmem>>
    %dma_wait3A_49 = tpu.memref_squeeze %dma_wait3A_48 : memref<1x128x64xf32, #tpu.memory_space<vmem>> -> memref<128x64xf32, #tpu.memory_space<vmem>>
    %dma_wait3A_50 = arith.constant 0 : i32
    %dma_wait3A_51 = tpu.memref_slice %arg8[%dma_wait3A_45, %dma_wait3A_50] : memref<157x128xi32, #tpu.memory_space<vmem>> -> memref<1x128xi32, #tpu.memory_space<vmem>>
    %dma_wait3A_52 = tpu.memref_squeeze %dma_wait3A_51 : memref<1x128xi32, #tpu.memory_space<vmem>> -> memref<128xi32, #tpu.memory_space<vmem>>
    %dma_wait3A_53 = arith.constant 0 : i32
    %dma_wait3A_54 = arith.constant 0 : i32
    %dma_wait3A_55 = tpu.memref_slice %arg10[%dma_wait3A_53, %dma_wait3A_54] : memref<10240x64xf32, #tpu.memory_space<vmem_shared>> -> memref<10240x64xf32, #tpu.memory_space<vmem_shared>>
    tpu.wait_indirect_dma semaphore(%arg12 : memref<!tpu.dma_semaphore, #tpu.memory_space<semaphore_mem>>) src(%dma_wait3A_49 : memref<128x64xf32, #tpu.memory_space<vmem>>) dst(%dma_wait3A_55 : memref<10240x64xf32, #tpu.memory_space<vmem_shared>>)
    %dma_wait3A_56 = arith.constant 5 : i32
    %dma_wait3A_57 = arith.constant 155 : i32
    %dma_wait3A_58 = arith.constant 0 : i32
    %dma_wait3A_59 = arith.constant 0 : i32
    %dma_wait3A_60 = tpu.memref_slice %arg9[%dma_wait3A_56, %dma_wait3A_58, %dma_wait3A_59] : memref<6x128x64xf32, #tpu.memory_space<vmem>> -> memref<1x128x64xf32, #tpu.memory_space<vmem>>
    %dma_wait3A_61 = tpu.memref_squeeze %dma_wait3A_60 : memref<1x128x64xf32, #tpu.memory_space<vmem>> -> memref<128x64xf32, #tpu.memory_space<vmem>>
    %dma_wait3A_62 = arith.constant 0 : i32
    %dma_wait3A_63 = tpu.memref_slice %arg8[%dma_wait3A_57, %dma_wait3A_62] : memref<157x128xi32, #tpu.memory_space<vmem>> -> memref<1x128xi32, #tpu.memory_space<vmem>>
    %dma_wait3A_64 = tpu.memref_squeeze %dma_wait3A_63 : memref<1x128xi32, #tpu.memory_space<vmem>> -> memref<128xi32, #tpu.memory_space<vmem>>
    %dma_wait3A_65 = arith.constant 0 : i32
    %dma_wait3A_66 = arith.constant 0 : i32
    %dma_wait3A_67 = tpu.memref_slice %arg10[%dma_wait3A_65, %dma_wait3A_66] : memref<10240x64xf32, #tpu.memory_space<vmem_shared>> -> memref<10240x64xf32, #tpu.memory_space<vmem_shared>>
    tpu.wait_indirect_dma semaphore(%arg12 : memref<!tpu.dma_semaphore, #tpu.memory_space<semaphore_mem>>) src(%dma_wait3A_61 : memref<128x64xf32, #tpu.memory_space<vmem>>) dst(%dma_wait3A_67 : memref<10240x64xf32, #tpu.memory_space<vmem_shared>>)
    %dma_wait3A_68 = arith.constant 0 : i32
    %dma_wait3A_69 = arith.constant 156 : i32
    %dma_wait3A_70 = arith.constant 0 : i32
    %dma_wait3A_71 = arith.constant 0 : i32
    %dma_wait3A_72 = tpu.memref_slice %arg9[%dma_wait3A_68, %dma_wait3A_70, %dma_wait3A_71] : memref<6x128x64xf32, #tpu.memory_space<vmem>> -> memref<1x128x64xf32, #tpu.memory_space<vmem>>
    %dma_wait3A_73 = tpu.memref_squeeze %dma_wait3A_72 : memref<1x128x64xf32, #tpu.memory_space<vmem>> -> memref<128x64xf32, #tpu.memory_space<vmem>>
    %dma_wait3A_74 = arith.constant 0 : i32
    %dma_wait3A_75 = tpu.memref_slice %arg8[%dma_wait3A_69, %dma_wait3A_74] : memref<157x128xi32, #tpu.memory_space<vmem>> -> memref<1x128xi32, #tpu.memory_space<vmem>>
    %dma_wait3A_76 = tpu.memref_squeeze %dma_wait3A_75 : memref<1x128xi32, #tpu.memory_space<vmem>> -> memref<128xi32, #tpu.memory_space<vmem>>
    %dma_wait3A_77 = arith.constant 0 : i32
    %dma_wait3A_78 = arith.constant 0 : i32
    %dma_wait3A_79 = tpu.memref_slice %arg10[%dma_wait3A_77, %dma_wait3A_78] : memref<10240x64xf32, #tpu.memory_space<vmem_shared>> -> memref<10240x64xf32, #tpu.memory_space<vmem_shared>>
    tpu.wait_indirect_dma semaphore(%arg12 : memref<!tpu.dma_semaphore, #tpu.memory_space<semaphore_mem>>) src(%dma_wait3A_73 : memref<128x64xf32, #tpu.memory_space<vmem>>) dst(%dma_wait3A_79 : memref<10240x64xf32, #tpu.memory_space<vmem_shared>>)
    %barrier3A_80 = arith.constant 0 : index
    tpu.barrier barrier_id(%barrier3A_80)
    %mul3A_81 = arith.constant 640 : i32
    %mul3A_82 = arith.muli %arg1, %mul3A_81 : i32
    %mul3A_83 = arith.constant 640 : i32
    %mul3A_84 = arith.muli %arg1, %mul3A_83 : i32
    "tpu.region"() ({
      %run_scoped3A = tpu.sem_alloc : memref<!tpu.dma_semaphore, #tpu.memory_space<semaphore_mem>>
      %dma_start3A_85 = arith.constant 0 : i32
      %dma_start3A_86 = arith.constant 0 : i32
      %dma_start3A_87 = tpu.memref_slice %arg6[%arg0, %dma_start3A_85, %dma_start3A_86] : memref<2x10240x64xf32, #tpu.memory_space<hbm>> -> memref<1x10240x64xf32, #tpu.memory_space<hbm>>
      %dma_start3A_88 = tpu.memref_squeeze %dma_start3A_87 : memref<1x10240x64xf32, #tpu.memory_space<hbm>> -> memref<10240x64xf32, #tpu.memory_space<hbm>>
      %dma_start3A_89 = arith.constant 0 : i32
      %dma_start3A_90 = tpu.memref_slice %dma_start3A_88[%mul3A_84, %dma_start3A_89] : memref<10240x64xf32, #tpu.memory_space<hbm>> -> memref<640x64xf32, #tpu.memory_space<hbm>>
      %dma_start3A_91 = arith.constant 0 : i32
      %dma_start3A_92 = tpu.memref_slice %arg10[%mul3A_82, %dma_start3A_91] : memref<10240x64xf32, #tpu.memory_space<vmem_shared>> -> memref<640x64xf32, #tpu.memory_space<vmem_shared>>
      tpu.enqueue_dma source(%dma_start3A_92 : memref<640x64xf32, #tpu.memory_space<vmem_shared>>) target(%dma_start3A_90 : memref<640x64xf32, #tpu.memory_space<hbm>>) target_semaphore(%run_scoped3A : memref<!tpu.dma_semaphore, #tpu.memory_space<semaphore_mem>>)
      %dma_wait3A_93 = arith.constant 0 : i32
      %dma_wait3A_94 = arith.constant 0 : i32
      %dma_wait3A_95 = tpu.memref_slice %arg6[%arg0, %dma_wait3A_93, %dma_wait3A_94] : memref<2x10240x64xf32, #tpu.memory_space<hbm>> -> memref<1x10240x64xf32, #tpu.memory_space<hbm>>
      %dma_wait3A_96 = tpu.memref_squeeze %dma_wait3A_95 : memref<1x10240x64xf32, #tpu.memory_space<hbm>> -> memref<10240x64xf32, #tpu.memory_space<hbm>>
      %dma_wait3A_97 = arith.constant 0 : i32
      %dma_wait3A_98 = tpu.memref_slice %dma_wait3A_96[%mul3A_84, %dma_wait3A_97] : memref<10240x64xf32, #tpu.memory_space<hbm>> -> memref<640x64xf32, #tpu.memory_space<hbm>>
      %dma_wait3A_99 = arith.constant 0 : i32
      %dma_wait3A_100 = tpu.memref_slice %arg10[%mul3A_82, %dma_wait3A_99] : memref<10240x64xf32, #tpu.memory_space<vmem_shared>> -> memref<640x64xf32, #tpu.memory_space<vmem_shared>>
      tpu.wait_dma2 semaphore(%run_scoped3A : memref<!tpu.dma_semaphore, #tpu.memory_space<semaphore_mem>>) src(%dma_wait3A_100 : memref<640x64xf32, #tpu.memory_space<vmem_shared>>) dst(%dma_wait3A_98 : memref<640x64xf32, #tpu.memory_space<hbm>>)
      tpu.yield
    }) : () -> ()
    return
  }
}

#map = affine_map<(d0, d1) -> (0, 0, 0)>
#map1 = affine_map<(d0, d1) -> (0, 0)>
module attributes {stable_mosaic.version = 14 : i64} {
  func.func @_deg_body(%arg0: i32, %arg1: i32, %arg2: memref<32x79x128xi32, #tpu.memory_space<hbm>>, %arg3: memref<10240x16xf32, #tpu.memory_space<hbm>>, %arg4: memref<128x16xf32, #tpu.memory_space<hbm>>, %arg5: memref<2x10240x16xf32, #tpu.memory_space<hbm>>, %arg6: memref<79x128xi32, #tpu.memory_space<vmem>>, %arg7: memref<128x16xf32, #tpu.memory_space<vmem>>, %arg8: memref<10240x16xf32, #tpu.memory_space<vmem_shared>>) attributes {dimension_semantics = [#tpu.dimension_semantics<core_parallel>, #tpu.dimension_semantics<subcore_parallel>], iteration_bounds = array<i64: 2, 16>, scalar_prefetch = 0 : i64, scratch_operands = 3 : i64, tpu.core_type = #tpu.core_type<sc_vector_subcore>, window_params = [{transform_indices = #map}, {transform_indices = #map1}, {transform_indices = #map1}, {transform_indices = #map}]} {
    %mul3A = arith.constant 640 : i32
    %mul3A_0 = arith.muli %arg1, %mul3A : i32
    %mul3A_1 = arith.constant 640 : i32
    %mul3A_2 = arith.muli %arg1, %mul3A_1 : i32
    "tpu.region"() ({
      %run_scoped3A = tpu.sem_alloc : memref<!tpu.dma_semaphore, #tpu.memory_space<semaphore_mem>>
      %dma_start3A = arith.constant 0 : i32
      %dma_start3A_15 = tpu.memref_slice %arg8[%mul3A_2, %dma_start3A] : memref<10240x16xf32, #tpu.memory_space<vmem_shared>> -> memref<640x16xf32, #tpu.memory_space<vmem_shared>>
      %dma_start3A_16 = arith.constant 0 : i32
      %dma_start3A_17 = tpu.memref_slice %arg3[%mul3A_0, %dma_start3A_16] : memref<10240x16xf32, #tpu.memory_space<hbm>> -> memref<640x16xf32, #tpu.memory_space<hbm>>
      tpu.enqueue_dma source(%dma_start3A_17 : memref<640x16xf32, #tpu.memory_space<hbm>>) target(%dma_start3A_15 : memref<640x16xf32, #tpu.memory_space<vmem_shared>>) target_semaphore(%run_scoped3A : memref<!tpu.dma_semaphore, #tpu.memory_space<semaphore_mem>>)
      %dma_wait3A = arith.constant 0 : i32
      %dma_wait3A_18 = tpu.memref_slice %arg8[%mul3A_2, %dma_wait3A] : memref<10240x16xf32, #tpu.memory_space<vmem_shared>> -> memref<640x16xf32, #tpu.memory_space<vmem_shared>>
      %dma_wait3A_19 = arith.constant 0 : i32
      %dma_wait3A_20 = tpu.memref_slice %arg3[%mul3A_0, %dma_wait3A_19] : memref<10240x16xf32, #tpu.memory_space<hbm>> -> memref<640x16xf32, #tpu.memory_space<hbm>>
      tpu.wait_dma2 semaphore(%run_scoped3A : memref<!tpu.dma_semaphore, #tpu.memory_space<semaphore_mem>>) src(%dma_wait3A_20 : memref<640x16xf32, #tpu.memory_space<hbm>>) dst(%dma_wait3A_18 : memref<640x16xf32, #tpu.memory_space<vmem_shared>>)
      tpu.yield
    }) : () -> ()
    "tpu.region"() ({
      %run_scoped3A = tpu.sem_alloc : memref<!tpu.dma_semaphore, #tpu.memory_space<semaphore_mem>>
      tpu.enqueue_dma source(%arg4 : memref<128x16xf32, #tpu.memory_space<hbm>>) target(%arg7 : memref<128x16xf32, #tpu.memory_space<vmem>>) target_semaphore(%run_scoped3A : memref<!tpu.dma_semaphore, #tpu.memory_space<semaphore_mem>>)
      tpu.wait_dma2 semaphore(%run_scoped3A : memref<!tpu.dma_semaphore, #tpu.memory_space<semaphore_mem>>) src(%arg4 : memref<128x16xf32, #tpu.memory_space<hbm>>) dst(%arg7 : memref<128x16xf32, #tpu.memory_space<vmem>>)
      tpu.yield
    }) : () -> ()
    %mul3A_3 = arith.constant 16 : i32
    %mul3A_4 = arith.muli %arg0, %mul3A_3 : i32
    %add3A = arith.addi %mul3A_4, %arg1 : i32
    "tpu.region"() ({
      %run_scoped3A = tpu.sem_alloc : memref<!tpu.dma_semaphore, #tpu.memory_space<semaphore_mem>>
      %dma_start3A = arith.constant 0 : i32
      %dma_start3A_15 = arith.constant 0 : i32
      %dma_start3A_16 = tpu.memref_slice %arg2[%add3A, %dma_start3A, %dma_start3A_15] : memref<32x79x128xi32, #tpu.memory_space<hbm>> -> memref<1x79x128xi32, #tpu.memory_space<hbm>>
      %dma_start3A_17 = tpu.memref_squeeze %dma_start3A_16 : memref<1x79x128xi32, #tpu.memory_space<hbm>> -> memref<79x128xi32, #tpu.memory_space<hbm>>
      %dma_start3A_18 = arith.constant 0 : i32
      %dma_start3A_19 = arith.constant 0 : i32
      %dma_start3A_20 = tpu.memref_slice %arg2[%add3A, %dma_start3A_18, %dma_start3A_19] : memref<32x79x128xi32, #tpu.memory_space<hbm>> -> memref<1x79x128xi32, #tpu.memory_space<hbm>>
      %dma_start3A_21 = tpu.memref_squeeze %dma_start3A_20 : memref<1x79x128xi32, #tpu.memory_space<hbm>> -> memref<79x128xi32, #tpu.memory_space<hbm>>
      tpu.enqueue_dma source(%dma_start3A_21 : memref<79x128xi32, #tpu.memory_space<hbm>>) target(%arg6 : memref<79x128xi32, #tpu.memory_space<vmem>>) target_semaphore(%run_scoped3A : memref<!tpu.dma_semaphore, #tpu.memory_space<semaphore_mem>>)
      %dma_wait3A = arith.constant 0 : i32
      %dma_wait3A_22 = arith.constant 0 : i32
      %dma_wait3A_23 = tpu.memref_slice %arg2[%add3A, %dma_wait3A, %dma_wait3A_22] : memref<32x79x128xi32, #tpu.memory_space<hbm>> -> memref<1x79x128xi32, #tpu.memory_space<hbm>>
      %dma_wait3A_24 = tpu.memref_squeeze %dma_wait3A_23 : memref<1x79x128xi32, #tpu.memory_space<hbm>> -> memref<79x128xi32, #tpu.memory_space<hbm>>
      %dma_wait3A_25 = arith.constant 0 : i32
      %dma_wait3A_26 = arith.constant 0 : i32
      %dma_wait3A_27 = tpu.memref_slice %arg2[%add3A, %dma_wait3A_25, %dma_wait3A_26] : memref<32x79x128xi32, #tpu.memory_space<hbm>> -> memref<1x79x128xi32, #tpu.memory_space<hbm>>
      %dma_wait3A_28 = tpu.memref_squeeze %dma_wait3A_27 : memref<1x79x128xi32, #tpu.memory_space<hbm>> -> memref<79x128xi32, #tpu.memory_space<hbm>>
      tpu.wait_dma2 semaphore(%run_scoped3A : memref<!tpu.dma_semaphore, #tpu.memory_space<semaphore_mem>>) src(%dma_wait3A_28 : memref<79x128xi32, #tpu.memory_space<hbm>>) dst(%arg6 : memref<79x128xi32, #tpu.memory_space<vmem>>)
      tpu.yield
    }) : () -> ()
    %barrier3A = arith.constant 0 : index
    tpu.barrier barrier_id(%barrier3A)
    %scan3A = arith.constant 0 : i32
    %scan3A_5 = arith.constant 0 : i32
    %scan3A_6 = arith.constant 79 : i32
    %scan3A_7 = arith.addi %scan3A_5, %scan3A_6 : i32
    %scan3A_8 = arith.constant 1 : i32
    scf.for %scan3A_15 = %scan3A_5 to %scan3A_7 step %scan3A_8  : i32 {
      "tpu.region"() ({
        %run_scoped3A = tpu.sem_alloc : memref<!tpu.dma_semaphore, #tpu.memory_space<semaphore_mem>>
        %dma_start3A = arith.constant 0 : i32
        %dma_start3A_16 = tpu.memref_slice %arg6[%scan3A_15, %dma_start3A] : memref<79x128xi32, #tpu.memory_space<vmem>> -> memref<1x128xi32, #tpu.memory_space<vmem>>
        %dma_start3A_17 = tpu.memref_squeeze %dma_start3A_16 : memref<1x128xi32, #tpu.memory_space<vmem>> -> memref<128xi32, #tpu.memory_space<vmem>>
        %dma_start3A_18 = arith.constant 0 : i32
        %dma_start3A_19 = arith.constant 0 : i32
        %dma_start3A_20 = tpu.memref_slice %arg8[%dma_start3A_18, %dma_start3A_19] : memref<10240x16xf32, #tpu.memory_space<vmem_shared>> -> memref<10240x16xf32, #tpu.memory_space<vmem_shared>>
        tpu.enqueue_indirect_dma source(%arg7 : memref<128x16xf32, #tpu.memory_space<vmem>>) target(%dma_start3A_20 : memref<10240x16xf32, #tpu.memory_space<vmem_shared>>) offsets(%dma_start3A_17 : memref<128xi32, #tpu.memory_space<vmem>>) semaphore(%run_scoped3A : memref<!tpu.dma_semaphore, #tpu.memory_space<semaphore_mem>>) {add = true}
        %dma_wait3A = arith.constant 0 : i32
        %dma_wait3A_21 = tpu.memref_slice %arg6[%scan3A_15, %dma_wait3A] : memref<79x128xi32, #tpu.memory_space<vmem>> -> memref<1x128xi32, #tpu.memory_space<vmem>>
        %dma_wait3A_22 = tpu.memref_squeeze %dma_wait3A_21 : memref<1x128xi32, #tpu.memory_space<vmem>> -> memref<128xi32, #tpu.memory_space<vmem>>
        %dma_wait3A_23 = arith.constant 0 : i32
        %dma_wait3A_24 = arith.constant 0 : i32
        %dma_wait3A_25 = tpu.memref_slice %arg8[%dma_wait3A_23, %dma_wait3A_24] : memref<10240x16xf32, #tpu.memory_space<vmem_shared>> -> memref<10240x16xf32, #tpu.memory_space<vmem_shared>>
        tpu.wait_indirect_dma semaphore(%run_scoped3A : memref<!tpu.dma_semaphore, #tpu.memory_space<semaphore_mem>>) src(%arg7 : memref<128x16xf32, #tpu.memory_space<vmem>>) dst(%dma_wait3A_25 : memref<10240x16xf32, #tpu.memory_space<vmem_shared>>)
        tpu.yield
      }) : () -> ()
    }
    %scan3A_9 = arith.constant 79 : i32
    %barrier3A_10 = arith.constant 0 : index
    tpu.barrier barrier_id(%barrier3A_10)
    %mul3A_11 = arith.constant 640 : i32
    %mul3A_12 = arith.muli %arg1, %mul3A_11 : i32
    %mul3A_13 = arith.constant 640 : i32
    %mul3A_14 = arith.muli %arg1, %mul3A_13 : i32
    "tpu.region"() ({
      %run_scoped3A = tpu.sem_alloc : memref<!tpu.dma_semaphore, #tpu.memory_space<semaphore_mem>>
      %dma_start3A = arith.constant 0 : i32
      %dma_start3A_15 = arith.constant 0 : i32
      %dma_start3A_16 = tpu.memref_slice %arg5[%arg0, %dma_start3A, %dma_start3A_15] : memref<2x10240x16xf32, #tpu.memory_space<hbm>> -> memref<1x10240x16xf32, #tpu.memory_space<hbm>>
      %dma_start3A_17 = tpu.memref_squeeze %dma_start3A_16 : memref<1x10240x16xf32, #tpu.memory_space<hbm>> -> memref<10240x16xf32, #tpu.memory_space<hbm>>
      %dma_start3A_18 = arith.constant 0 : i32
      %dma_start3A_19 = tpu.memref_slice %dma_start3A_17[%mul3A_14, %dma_start3A_18] : memref<10240x16xf32, #tpu.memory_space<hbm>> -> memref<640x16xf32, #tpu.memory_space<hbm>>
      %dma_start3A_20 = arith.constant 0 : i32
      %dma_start3A_21 = tpu.memref_slice %arg8[%mul3A_12, %dma_start3A_20] : memref<10240x16xf32, #tpu.memory_space<vmem_shared>> -> memref<640x16xf32, #tpu.memory_space<vmem_shared>>
      tpu.enqueue_dma source(%dma_start3A_21 : memref<640x16xf32, #tpu.memory_space<vmem_shared>>) target(%dma_start3A_19 : memref<640x16xf32, #tpu.memory_space<hbm>>) target_semaphore(%run_scoped3A : memref<!tpu.dma_semaphore, #tpu.memory_space<semaphore_mem>>)
      %dma_wait3A = arith.constant 0 : i32
      %dma_wait3A_22 = arith.constant 0 : i32
      %dma_wait3A_23 = tpu.memref_slice %arg5[%arg0, %dma_wait3A, %dma_wait3A_22] : memref<2x10240x16xf32, #tpu.memory_space<hbm>> -> memref<1x10240x16xf32, #tpu.memory_space<hbm>>
      %dma_wait3A_24 = tpu.memref_squeeze %dma_wait3A_23 : memref<1x10240x16xf32, #tpu.memory_space<hbm>> -> memref<10240x16xf32, #tpu.memory_space<hbm>>
      %dma_wait3A_25 = arith.constant 0 : i32
      %dma_wait3A_26 = tpu.memref_slice %dma_wait3A_24[%mul3A_14, %dma_wait3A_25] : memref<10240x16xf32, #tpu.memory_space<hbm>> -> memref<640x16xf32, #tpu.memory_space<hbm>>
      %dma_wait3A_27 = arith.constant 0 : i32
      %dma_wait3A_28 = tpu.memref_slice %arg8[%mul3A_12, %dma_wait3A_27] : memref<10240x16xf32, #tpu.memory_space<vmem_shared>> -> memref<640x16xf32, #tpu.memory_space<vmem_shared>>
      tpu.wait_dma2 semaphore(%run_scoped3A : memref<!tpu.dma_semaphore, #tpu.memory_space<semaphore_mem>>) src(%dma_wait3A_28 : memref<640x16xf32, #tpu.memory_space<vmem_shared>>) dst(%dma_wait3A_26 : memref<640x16xf32, #tpu.memory_space<hbm>>)
      tpu.yield
    }) : () -> ()
    return
  }
}

#map = affine_map<(d0, d1) -> (0, 0, 0)>
#map1 = affine_map<(d0, d1) -> (0, 0)>
module attributes {stable_mosaic.version = 14 : i64} {
  func.func @_agg_body(%arg0: i32, %arg1: i32, %arg2: memref<32x157x128xi32, #tpu.memory_space<hbm>>, %arg3: memref<16x157x128xi32, #tpu.memory_space<hbm>>, %arg4: memref<20480x64xf32, #tpu.memory_space<hbm>>, %arg5: memref<10240x64xf32, #tpu.memory_space<hbm>>, %arg6: memref<2x10240x64xf32, #tpu.memory_space<hbm>>, %arg7: memref<157x128xi32, #tpu.memory_space<vmem>>, %arg8: memref<157x128xi32, #tpu.memory_space<vmem>>, %arg9: memref<6x128x64xf32, #tpu.memory_space<vmem>>, %arg10: memref<10240x64xf32, #tpu.memory_space<vmem_shared>>, %arg11: memref<!tpu.dma_semaphore, #tpu.memory_space<semaphore_mem>>, %arg12: memref<!tpu.dma_semaphore, #tpu.memory_space<semaphore_mem>>) attributes {dimension_semantics = [#tpu.dimension_semantics<core_parallel>, #tpu.dimension_semantics<subcore_parallel>], iteration_bounds = array<i64: 2, 16>, scalar_prefetch = 0 : i64, scratch_operands = 6 : i64, tpu.core_type = #tpu.core_type<sc_vector_subcore>, window_params = [{transform_indices = #map}, {transform_indices = #map}, {transform_indices = #map1}, {transform_indices = #map1}, {transform_indices = #map}]} {
    %mul3A = arith.constant 640 : i32
    %mul3A_0 = arith.muli %arg1, %mul3A : i32
    %mul3A_1 = arith.constant 640 : i32
    %mul3A_2 = arith.muli %arg1, %mul3A_1 : i32
    "tpu.region"() ({
      %run_scoped3A = tpu.sem_alloc : memref<!tpu.dma_semaphore, #tpu.memory_space<semaphore_mem>>
      %dma_start3A_85 = arith.constant 0 : i32
      %dma_start3A_86 = tpu.memref_slice %arg10[%mul3A_2, %dma_start3A_85] : memref<10240x64xf32, #tpu.memory_space<vmem_shared>> -> memref<640x64xf32, #tpu.memory_space<vmem_shared>>
      %dma_start3A_87 = arith.constant 0 : i32
      %dma_start3A_88 = tpu.memref_slice %arg5[%mul3A_0, %dma_start3A_87] : memref<10240x64xf32, #tpu.memory_space<hbm>> -> memref<640x64xf32, #tpu.memory_space<hbm>>
      tpu.enqueue_dma source(%dma_start3A_88 : memref<640x64xf32, #tpu.memory_space<hbm>>) target(%dma_start3A_86 : memref<640x64xf32, #tpu.memory_space<vmem_shared>>) target_semaphore(%run_scoped3A : memref<!tpu.dma_semaphore, #tpu.memory_space<semaphore_mem>>)
      %dma_wait3A_89 = arith.constant 0 : i32
      %dma_wait3A_90 = tpu.memref_slice %arg10[%mul3A_2, %dma_wait3A_89] : memref<10240x64xf32, #tpu.memory_space<vmem_shared>> -> memref<640x64xf32, #tpu.memory_space<vmem_shared>>
      %dma_wait3A_91 = arith.constant 0 : i32
      %dma_wait3A_92 = tpu.memref_slice %arg5[%mul3A_0, %dma_wait3A_91] : memref<10240x64xf32, #tpu.memory_space<hbm>> -> memref<640x64xf32, #tpu.memory_space<hbm>>
      tpu.wait_dma2 semaphore(%run_scoped3A : memref<!tpu.dma_semaphore, #tpu.memory_space<semaphore_mem>>) src(%dma_wait3A_92 : memref<640x64xf32, #tpu.memory_space<hbm>>) dst(%dma_wait3A_90 : memref<640x64xf32, #tpu.memory_space<vmem_shared>>)
      tpu.yield
    }) : () -> ()
    %mul3A_3 = arith.constant 16 : i32
    %mul3A_4 = arith.muli %arg0, %mul3A_3 : i32
    %add3A = arith.addi %mul3A_4, %arg1 : i32
    "tpu.region"() ({
      %run_scoped3A = tpu.sem_alloc : memref<!tpu.dma_semaphore, #tpu.memory_space<semaphore_mem>>
      %dma_start3A_85 = arith.constant 0 : i32
      %dma_start3A_86 = arith.constant 0 : i32
      %dma_start3A_87 = tpu.memref_slice %arg2[%add3A, %dma_start3A_85, %dma_start3A_86] : memref<32x157x128xi32, #tpu.memory_space<hbm>> -> memref<1x157x128xi32, #tpu.memory_space<hbm>>
      %dma_start3A_88 = tpu.memref_squeeze %dma_start3A_87 : memref<1x157x128xi32, #tpu.memory_space<hbm>> -> memref<157x128xi32, #tpu.memory_space<hbm>>
      %dma_start3A_89 = arith.constant 0 : i32
      %dma_start3A_90 = arith.constant 0 : i32
      %dma_start3A_91 = tpu.memref_slice %arg2[%add3A, %dma_start3A_89, %dma_start3A_90] : memref<32x157x128xi32, #tpu.memory_space<hbm>> -> memref<1x157x128xi32, #tpu.memory_space<hbm>>
      %dma_start3A_92 = tpu.memref_squeeze %dma_start3A_91 : memref<1x157x128xi32, #tpu.memory_space<hbm>> -> memref<157x128xi32, #tpu.memory_space<hbm>>
      tpu.enqueue_dma source(%dma_start3A_92 : memref<157x128xi32, #tpu.memory_space<hbm>>) target(%arg7 : memref<157x128xi32, #tpu.memory_space<vmem>>) target_semaphore(%run_scoped3A : memref<!tpu.dma_semaphore, #tpu.memory_space<semaphore_mem>>)
      %dma_wait3A_93 = arith.constant 0 : i32
      %dma_wait3A_94 = arith.constant 0 : i32
      %dma_wait3A_95 = tpu.memref_slice %arg2[%add3A, %dma_wait3A_93, %dma_wait3A_94] : memref<32x157x128xi32, #tpu.memory_space<hbm>> -> memref<1x157x128xi32, #tpu.memory_space<hbm>>
      %dma_wait3A_96 = tpu.memref_squeeze %dma_wait3A_95 : memref<1x157x128xi32, #tpu.memory_space<hbm>> -> memref<157x128xi32, #tpu.memory_space<hbm>>
      %dma_wait3A_97 = arith.constant 0 : i32
      %dma_wait3A_98 = arith.constant 0 : i32
      %dma_wait3A_99 = tpu.memref_slice %arg2[%add3A, %dma_wait3A_97, %dma_wait3A_98] : memref<32x157x128xi32, #tpu.memory_space<hbm>> -> memref<1x157x128xi32, #tpu.memory_space<hbm>>
      %dma_wait3A_100 = tpu.memref_squeeze %dma_wait3A_99 : memref<1x157x128xi32, #tpu.memory_space<hbm>> -> memref<157x128xi32, #tpu.memory_space<hbm>>
      tpu.wait_dma2 semaphore(%run_scoped3A : memref<!tpu.dma_semaphore, #tpu.memory_space<semaphore_mem>>) src(%dma_wait3A_100 : memref<157x128xi32, #tpu.memory_space<hbm>>) dst(%arg7 : memref<157x128xi32, #tpu.memory_space<vmem>>)
      tpu.yield
    }) : () -> ()
    "tpu.region"() ({
      %run_scoped3A = tpu.sem_alloc : memref<!tpu.dma_semaphore, #tpu.memory_space<semaphore_mem>>
      %dma_start3A_85 = arith.constant 0 : i32
      %dma_start3A_86 = arith.constant 0 : i32
      %dma_start3A_87 = tpu.memref_slice %arg3[%arg1, %dma_start3A_85, %dma_start3A_86] : memref<16x157x128xi32, #tpu.memory_space<hbm>> -> memref<1x157x128xi32, #tpu.memory_space<hbm>>
      %dma_start3A_88 = tpu.memref_squeeze %dma_start3A_87 : memref<1x157x128xi32, #tpu.memory_space<hbm>> -> memref<157x128xi32, #tpu.memory_space<hbm>>
      %dma_start3A_89 = arith.constant 0 : i32
      %dma_start3A_90 = arith.constant 0 : i32
      %dma_start3A_91 = tpu.memref_slice %arg3[%arg1, %dma_start3A_89, %dma_start3A_90] : memref<16x157x128xi32, #tpu.memory_space<hbm>> -> memref<1x157x128xi32, #tpu.memory_space<hbm>>
      %dma_start3A_92 = tpu.memref_squeeze %dma_start3A_91 : memref<1x157x128xi32, #tpu.memory_space<hbm>> -> memref<157x128xi32, #tpu.memory_space<hbm>>
      tpu.enqueue_dma source(%dma_start3A_92 : memref<157x128xi32, #tpu.memory_space<hbm>>) target(%arg8 : memref<157x128xi32, #tpu.memory_space<vmem>>) target_semaphore(%run_scoped3A : memref<!tpu.dma_semaphore, #tpu.memory_space<semaphore_mem>>)
      %dma_wait3A_93 = arith.constant 0 : i32
      %dma_wait3A_94 = arith.constant 0 : i32
      %dma_wait3A_95 = tpu.memref_slice %arg3[%arg1, %dma_wait3A_93, %dma_wait3A_94] : memref<16x157x128xi32, #tpu.memory_space<hbm>> -> memref<1x157x128xi32, #tpu.memory_space<hbm>>
      %dma_wait3A_96 = tpu.memref_squeeze %dma_wait3A_95 : memref<1x157x128xi32, #tpu.memory_space<hbm>> -> memref<157x128xi32, #tpu.memory_space<hbm>>
      %dma_wait3A_97 = arith.constant 0 : i32
      %dma_wait3A_98 = arith.constant 0 : i32
      %dma_wait3A_99 = tpu.memref_slice %arg3[%arg1, %dma_wait3A_97, %dma_wait3A_98] : memref<16x157x128xi32, #tpu.memory_space<hbm>> -> memref<1x157x128xi32, #tpu.memory_space<hbm>>
      %dma_wait3A_100 = tpu.memref_squeeze %dma_wait3A_99 : memref<1x157x128xi32, #tpu.memory_space<hbm>> -> memref<157x128xi32, #tpu.memory_space<hbm>>
      tpu.wait_dma2 semaphore(%run_scoped3A : memref<!tpu.dma_semaphore, #tpu.memory_space<semaphore_mem>>) src(%dma_wait3A_100 : memref<157x128xi32, #tpu.memory_space<hbm>>) dst(%arg8 : memref<157x128xi32, #tpu.memory_space<vmem>>)
      tpu.yield
    }) : () -> ()
    %barrier3A = arith.constant 0 : index
    tpu.barrier barrier_id(%barrier3A)
    %dma_start3A = arith.constant 0 : i32
    %dma_start3A_5 = arith.constant 0 : i32
    %dma_start3A_6 = arith.constant 0 : i32
    %dma_start3A_7 = arith.constant 0 : i32
    %dma_start3A_8 = tpu.memref_slice %arg9[%dma_start3A_5, %dma_start3A_6, %dma_start3A_7] : memref<6x128x64xf32, #tpu.memory_space<vmem>> -> memref<1x128x64xf32, #tpu.memory_space<vmem>>
    %dma_start3A_9 = tpu.memref_squeeze %dma_start3A_8 : memref<1x128x64xf32, #tpu.memory_space<vmem>> -> memref<128x64xf32, #tpu.memory_space<vmem>>
    %dma_start3A_10 = arith.constant 0 : i32
    %dma_start3A_11 = tpu.memref_slice %arg7[%dma_start3A, %dma_start3A_10] : memref<157x128xi32, #tpu.memory_space<vmem>> -> memref<1x128xi32, #tpu.memory_space<vmem>>
    %dma_start3A_12 = tpu.memref_squeeze %dma_start3A_11 : memref<1x128xi32, #tpu.memory_space<vmem>> -> memref<128xi32, #tpu.memory_space<vmem>>
    %dma_start3A_13 = arith.constant 0 : i32
    %dma_start3A_14 = arith.constant 0 : i32
    %dma_start3A_15 = tpu.memref_slice %arg4[%dma_start3A_13, %dma_start3A_14] : memref<20480x64xf32, #tpu.memory_space<hbm>> -> memref<20480x64xf32, #tpu.memory_space<hbm>>
    tpu.enqueue_indirect_dma source(%dma_start3A_15 : memref<20480x64xf32, #tpu.memory_space<hbm>>) target(%dma_start3A_9 : memref<128x64xf32, #tpu.memory_space<vmem>>) offsets(%dma_start3A_12 : memref<128xi32, #tpu.memory_space<vmem>>) semaphore(%arg11 : memref<!tpu.dma_semaphore, #tpu.memory_space<semaphore_mem>>)
    %dma_start3A_16 = arith.constant 1 : i32
    %dma_start3A_17 = arith.constant 1 : i32
    %dma_start3A_18 = arith.constant 0 : i32
    %dma_start3A_19 = arith.constant 0 : i32
    %dma_start3A_20 = tpu.memref_slice %arg9[%dma_start3A_17, %dma_start3A_18, %dma_start3A_19] : memref<6x128x64xf32, #tpu.memory_space<vmem>> -> memref<1x128x64xf32, #tpu.memory_space<vmem>>
    %dma_start3A_21 = tpu.memref_squeeze %dma_start3A_20 : memref<1x128x64xf32, #tpu.memory_space<vmem>> -> memref<128x64xf32, #tpu.memory_space<vmem>>
    %dma_start3A_22 = arith.constant 0 : i32
    %dma_start3A_23 = tpu.memref_slice %arg7[%dma_start3A_16, %dma_start3A_22] : memref<157x128xi32, #tpu.memory_space<vmem>> -> memref<1x128xi32, #tpu.memory_space<vmem>>
    %dma_start3A_24 = tpu.memref_squeeze %dma_start3A_23 : memref<1x128xi32, #tpu.memory_space<vmem>> -> memref<128xi32, #tpu.memory_space<vmem>>
    %dma_start3A_25 = arith.constant 0 : i32
    %dma_start3A_26 = arith.constant 0 : i32
    %dma_start3A_27 = tpu.memref_slice %arg4[%dma_start3A_25, %dma_start3A_26] : memref<20480x64xf32, #tpu.memory_space<hbm>> -> memref<20480x64xf32, #tpu.memory_space<hbm>>
    tpu.enqueue_indirect_dma source(%dma_start3A_27 : memref<20480x64xf32, #tpu.memory_space<hbm>>) target(%dma_start3A_21 : memref<128x64xf32, #tpu.memory_space<vmem>>) offsets(%dma_start3A_24 : memref<128xi32, #tpu.memory_space<vmem>>) semaphore(%arg11 : memref<!tpu.dma_semaphore, #tpu.memory_space<semaphore_mem>>)
    %dma_start3A_28 = arith.constant 2 : i32
    %dma_start3A_29 = arith.constant 2 : i32
    %dma_start3A_30 = arith.constant 0 : i32
    %dma_start3A_31 = arith.constant 0 : i32
    %dma_start3A_32 = tpu.memref_slice %arg9[%dma_start3A_29, %dma_start3A_30, %dma_start3A_31] : memref<6x128x64xf32, #tpu.memory_space<vmem>> -> memref<1x128x64xf32, #tpu.memory_space<vmem>>
    %dma_start3A_33 = tpu.memref_squeeze %dma_start3A_32 : memref<1x128x64xf32, #tpu.memory_space<vmem>> -> memref<128x64xf32, #tpu.memory_space<vmem>>
    %dma_start3A_34 = arith.constant 0 : i32
    %dma_start3A_35 = tpu.memref_slice %arg7[%dma_start3A_28, %dma_start3A_34] : memref<157x128xi32, #tpu.memory_space<vmem>> -> memref<1x128xi32, #tpu.memory_space<vmem>>
    %dma_start3A_36 = tpu.memref_squeeze %dma_start3A_35 : memref<1x128xi32, #tpu.memory_space<vmem>> -> memref<128xi32, #tpu.memory_space<vmem>>
    %dma_start3A_37 = arith.constant 0 : i32
    %dma_start3A_38 = arith.constant 0 : i32
    %dma_start3A_39 = tpu.memref_slice %arg4[%dma_start3A_37, %dma_start3A_38] : memref<20480x64xf32, #tpu.memory_space<hbm>> -> memref<20480x64xf32, #tpu.memory_space<hbm>>
    tpu.enqueue_indirect_dma source(%dma_start3A_39 : memref<20480x64xf32, #tpu.memory_space<hbm>>) target(%dma_start3A_33 : memref<128x64xf32, #tpu.memory_space<vmem>>) offsets(%dma_start3A_36 : memref<128xi32, #tpu.memory_space<vmem>>) semaphore(%arg11 : memref<!tpu.dma_semaphore, #tpu.memory_space<semaphore_mem>>)
    %scan3A = arith.constant 0 : i32
    %scan3A_40 = arith.constant 0 : i32
    %scan3A_41 = arith.constant 157 : i32
    %scan3A_42 = arith.addi %scan3A_40, %scan3A_41 : i32
    %scan3A_43 = arith.constant 1 : i32
    scf.for %scan3A_85 = %scan3A_40 to %scan3A_42 step %scan3A_43  : i32 {
      %ge3A = arith.constant 3 : i32
      %ge3A_86 = arith.cmpi sge, %scan3A_85, %ge3A : i32
      %convert_element_type3A = arith.extui %ge3A_86 : i1 to i32
      %cond3A = arith.constant 0 : i32
      %cond3A_87 = arith.cmpi ne, %convert_element_type3A, %cond3A : i32
      scf.if %cond3A_87 {
        %sub3A = arith.constant 3 : i32
        %sub3A_140 = arith.subi %scan3A_85, %sub3A : i32
        %jit3A_141 = arith.constant 6 : i32
        %eq3A_142 = arith.constant 0 : i32
        %eq3A_143 = arith.cmpi eq, %jit3A_141, %eq3A_142 : i32
        %jit3A_144 = arith.constant 1 : i32
        %select_n3A_145 = arith.select %eq3A_143, %jit3A_144, %jit3A_141 : i32
        %rem3A_146 = arith.remsi %sub3A_140, %select_n3A_145 : i32
        %ne3A_147 = arith.constant 0 : i32
        %ne3A_148 = arith.cmpi ne, %rem3A_146, %ne3A_147 : i32
        %lt3A_149 = arith.constant 0 : i32
        %lt3A_150 = arith.cmpi slt, %rem3A_146, %lt3A_149 : i32
        %lt3A_151 = arith.constant 0 : i32
        %lt3A_152 = arith.cmpi slt, %select_n3A_145, %lt3A_151 : i32
        %ne3A_153 = arith.xori %lt3A_150, %lt3A_152 : i1
        %and3A_154 = arith.andi %ne3A_153, %ne3A_148 : i1
        %add3A_155 = arith.addi %rem3A_146, %select_n3A_145 : i32
        %select_n3A_156 = arith.select %and3A_154, %add3A_155, %rem3A_146 : i32
        %sub3A_157 = arith.constant 3 : i32
        %sub3A_158 = arith.subi %scan3A_85, %sub3A_157 : i32
        %dma_wait3A_159 = arith.constant 0 : i32
        %dma_wait3A_160 = arith.constant 0 : i32
        %dma_wait3A_161 = tpu.memref_slice %arg9[%select_n3A_156, %dma_wait3A_159, %dma_wait3A_160] : memref<6x128x64xf32, #tpu.memory_space<vmem>> -> memref<1x128x64xf32, #tpu.memory_space<vmem>>
        %dma_wait3A_162 = tpu.memref_squeeze %dma_wait3A_161 : memref<1x128x64xf32, #tpu.memory_space<vmem>> -> memref<128x64xf32, #tpu.memory_space<vmem>>
        %dma_wait3A_163 = arith.constant 0 : i32
        %dma_wait3A_164 = tpu.memref_slice %arg8[%sub3A_158, %dma_wait3A_163] : memref<157x128xi32, #tpu.memory_space<vmem>> -> memref<1x128xi32, #tpu.memory_space<vmem>>
        %dma_wait3A_165 = tpu.memref_squeeze %dma_wait3A_164 : memref<1x128xi32, #tpu.memory_space<vmem>> -> memref<128xi32, #tpu.memory_space<vmem>>
        %dma_wait3A_166 = arith.constant 0 : i32
        %dma_wait3A_167 = arith.constant 0 : i32
        %dma_wait3A_168 = tpu.memref_slice %arg10[%dma_wait3A_166, %dma_wait3A_167] : memref<10240x64xf32, #tpu.memory_space<vmem_shared>> -> memref<10240x64xf32, #tpu.memory_space<vmem_shared>>
        tpu.wait_indirect_dma semaphore(%arg12 : memref<!tpu.dma_semaphore, #tpu.memory_space<semaphore_mem>>) src(%dma_wait3A_162 : memref<128x64xf32, #tpu.memory_space<vmem>>) dst(%dma_wait3A_168 : memref<10240x64xf32, #tpu.memory_space<vmem_shared>>)
      } else {
      }
      %jit3A = arith.constant 6 : i32
      %eq3A = arith.constant 0 : i32
      %eq3A_88 = arith.cmpi eq, %jit3A, %eq3A : i32
      %jit3A_89 = arith.constant 1 : i32
      %select_n3A = arith.select %eq3A_88, %jit3A_89, %jit3A : i32
      %rem3A = arith.remsi %scan3A_85, %select_n3A : i32
      %ne3A = arith.constant 0 : i32
      %ne3A_90 = arith.cmpi ne, %rem3A, %ne3A : i32
      %lt3A = arith.constant 0 : i32
      %lt3A_91 = arith.cmpi slt, %rem3A, %lt3A : i32
      %lt3A_92 = arith.constant 0 : i32
      %lt3A_93 = arith.cmpi slt, %select_n3A, %lt3A_92 : i32
      %ne3A_94 = arith.xori %lt3A_91, %lt3A_93 : i1
      %and3A = arith.andi %ne3A_94, %ne3A_90 : i1
      %add3A_95 = arith.addi %rem3A, %select_n3A : i32
      %select_n3A_96 = arith.select %and3A, %add3A_95, %rem3A : i32
      %dma_wait3A_97 = arith.constant 0 : i32
      %dma_wait3A_98 = arith.constant 0 : i32
      %dma_wait3A_99 = tpu.memref_slice %arg9[%select_n3A_96, %dma_wait3A_97, %dma_wait3A_98] : memref<6x128x64xf32, #tpu.memory_space<vmem>> -> memref<1x128x64xf32, #tpu.memory_space<vmem>>
      %dma_wait3A_100 = tpu.memref_squeeze %dma_wait3A_99 : memref<1x128x64xf32, #tpu.memory_space<vmem>> -> memref<128x64xf32, #tpu.memory_space<vmem>>
      %dma_wait3A_101 = arith.constant 0 : i32
      %dma_wait3A_102 = tpu.memref_slice %arg7[%scan3A_85, %dma_wait3A_101] : memref<157x128xi32, #tpu.memory_space<vmem>> -> memref<1x128xi32, #tpu.memory_space<vmem>>
      %dma_wait3A_103 = tpu.memref_squeeze %dma_wait3A_102 : memref<1x128xi32, #tpu.memory_space<vmem>> -> memref<128xi32, #tpu.memory_space<vmem>>
      %dma_wait3A_104 = arith.constant 0 : i32
      %dma_wait3A_105 = arith.constant 0 : i32
      %dma_wait3A_106 = tpu.memref_slice %arg4[%dma_wait3A_104, %dma_wait3A_105] : memref<20480x64xf32, #tpu.memory_space<hbm>> -> memref<20480x64xf32, #tpu.memory_space<hbm>>
      tpu.wait_indirect_dma semaphore(%arg11 : memref<!tpu.dma_semaphore, #tpu.memory_space<semaphore_mem>>) src(%dma_wait3A_106 : memref<20480x64xf32, #tpu.memory_space<hbm>>) dst(%dma_wait3A_100 : memref<128x64xf32, #tpu.memory_space<vmem>>)
      %jit3A_107 = arith.constant 6 : i32
      %eq3A_108 = arith.constant 0 : i32
      %eq3A_109 = arith.cmpi eq, %jit3A_107, %eq3A_108 : i32
      %jit3A_110 = arith.constant 1 : i32
      %select_n3A_111 = arith.select %eq3A_109, %jit3A_110, %jit3A_107 : i32
      %rem3A_112 = arith.remsi %scan3A_85, %select_n3A_111 : i32
      %ne3A_113 = arith.constant 0 : i32
      %ne3A_114 = arith.cmpi ne, %rem3A_112, %ne3A_113 : i32
      %lt3A_115 = arith.constant 0 : i32
      %lt3A_116 = arith.cmpi slt, %rem3A_112, %lt3A_115 : i32
      %lt3A_117 = arith.constant 0 : i32
      %lt3A_118 = arith.cmpi slt, %select_n3A_111, %lt3A_117 : i32
      %ne3A_119 = arith.xori %lt3A_116, %lt3A_118 : i1
      %and3A_120 = arith.andi %ne3A_119, %ne3A_114 : i1
      %add3A_121 = arith.addi %rem3A_112, %select_n3A_111 : i32
      %select_n3A_122 = arith.select %and3A_120, %add3A_121, %rem3A_112 : i32
      %dma_start3A_123 = arith.constant 0 : i32
      %dma_start3A_124 = arith.constant 0 : i32
      %dma_start3A_125 = tpu.memref_slice %arg9[%select_n3A_122, %dma_start3A_123, %dma_start3A_124] : memref<6x128x64xf32, #tpu.memory_space<vmem>> -> memref<1x128x64xf32, #tpu.memory_space<vmem>>
      %dma_start3A_126 = tpu.memref_squeeze %dma_start3A_125 : memref<1x128x64xf32, #tpu.memory_space<vmem>> -> memref<128x64xf32, #tpu.memory_space<vmem>>
      %dma_start3A_127 = arith.constant 0 : i32
      %dma_start3A_128 = tpu.memref_slice %arg8[%scan3A_85, %dma_start3A_127] : memref<157x128xi32, #tpu.memory_space<vmem>> -> memref<1x128xi32, #tpu.memory_space<vmem>>
      %dma_start3A_129 = tpu.memref_squeeze %dma_start3A_128 : memref<1x128xi32, #tpu.memory_space<vmem>> -> memref<128xi32, #tpu.memory_space<vmem>>
      %dma_start3A_130 = arith.constant 0 : i32
      %dma_start3A_131 = arith.constant 0 : i32
      %dma_start3A_132 = tpu.memref_slice %arg10[%dma_start3A_130, %dma_start3A_131] : memref<10240x64xf32, #tpu.memory_space<vmem_shared>> -> memref<10240x64xf32, #tpu.memory_space<vmem_shared>>
      tpu.enqueue_indirect_dma source(%dma_start3A_126 : memref<128x64xf32, #tpu.memory_space<vmem>>) target(%dma_start3A_132 : memref<10240x64xf32, #tpu.memory_space<vmem_shared>>) offsets(%dma_start3A_129 : memref<128xi32, #tpu.memory_space<vmem>>) semaphore(%arg12 : memref<!tpu.dma_semaphore, #tpu.memory_space<semaphore_mem>>) {add = true}
      %add3A_133 = arith.constant 3 : i32
      %add3A_134 = arith.addi %scan3A_85, %add3A_133 : i32
      %lt3A_135 = arith.constant 157 : i32
      %lt3A_136 = arith.cmpi slt, %add3A_134, %lt3A_135 : i32
      %convert_element_type3A_137 = arith.extui %lt3A_136 : i1 to i32
      %cond3A_138 = arith.constant 0 : i32
      %cond3A_139 = arith.cmpi ne, %convert_element_type3A_137, %cond3A_138 : i32
      scf.if %cond3A_139 {
        %add3A_140 = arith.constant 3 : i32
        %add3A_141 = arith.addi %scan3A_85, %add3A_140 : i32
        %add3A_142 = arith.constant 3 : i32
        %add3A_143 = arith.addi %scan3A_85, %add3A_142 : i32
        %jit3A_144 = arith.constant 6 : i32
        %eq3A_145 = arith.constant 0 : i32
        %eq3A_146 = arith.cmpi eq, %jit3A_144, %eq3A_145 : i32
        %jit3A_147 = arith.constant 1 : i32
        %select_n3A_148 = arith.select %eq3A_146, %jit3A_147, %jit3A_144 : i32
        %rem3A_149 = arith.remsi %add3A_143, %select_n3A_148 : i32
        %ne3A_150 = arith.constant 0 : i32
        %ne3A_151 = arith.cmpi ne, %rem3A_149, %ne3A_150 : i32
        %lt3A_152 = arith.constant 0 : i32
        %lt3A_153 = arith.cmpi slt, %rem3A_149, %lt3A_152 : i32
        %lt3A_154 = arith.constant 0 : i32
        %lt3A_155 = arith.cmpi slt, %select_n3A_148, %lt3A_154 : i32
        %ne3A_156 = arith.xori %lt3A_153, %lt3A_155 : i1
        %and3A_157 = arith.andi %ne3A_156, %ne3A_151 : i1
        %add3A_158 = arith.addi %rem3A_149, %select_n3A_148 : i32
        %select_n3A_159 = arith.select %and3A_157, %add3A_158, %rem3A_149 : i32
        %dma_start3A_160 = arith.constant 0 : i32
        %dma_start3A_161 = arith.constant 0 : i32
        %dma_start3A_162 = tpu.memref_slice %arg9[%select_n3A_159, %dma_start3A_160, %dma_start3A_161] : memref<6x128x64xf32, #tpu.memory_space<vmem>> -> memref<1x128x64xf32, #tpu.memory_space<vmem>>
        %dma_start3A_163 = tpu.memref_squeeze %dma_start3A_162 : memref<1x128x64xf32, #tpu.memory_space<vmem>> -> memref<128x64xf32, #tpu.memory_space<vmem>>
        %dma_start3A_164 = arith.constant 0 : i32
        %dma_start3A_165 = tpu.memref_slice %arg7[%add3A_141, %dma_start3A_164] : memref<157x128xi32, #tpu.memory_space<vmem>> -> memref<1x128xi32, #tpu.memory_space<vmem>>
        %dma_start3A_166 = tpu.memref_squeeze %dma_start3A_165 : memref<1x128xi32, #tpu.memory_space<vmem>> -> memref<128xi32, #tpu.memory_space<vmem>>
        %dma_start3A_167 = arith.constant 0 : i32
        %dma_start3A_168 = arith.constant 0 : i32
        %dma_start3A_169 = tpu.memref_slice %arg4[%dma_start3A_167, %dma_start3A_168] : memref<20480x64xf32, #tpu.memory_space<hbm>> -> memref<20480x64xf32, #tpu.memory_space<hbm>>
        tpu.enqueue_indirect_dma source(%dma_start3A_169 : memref<20480x64xf32, #tpu.memory_space<hbm>>) target(%dma_start3A_163 : memref<128x64xf32, #tpu.memory_space<vmem>>) offsets(%dma_start3A_166 : memref<128xi32, #tpu.memory_space<vmem>>) semaphore(%arg11 : memref<!tpu.dma_semaphore, #tpu.memory_space<semaphore_mem>>)
      } else {
      }
    }
    %scan3A_44 = arith.constant 157 : i32
    %dma_wait3A = arith.constant 4 : i32
    %dma_wait3A_45 = arith.constant 154 : i32
    %dma_wait3A_46 = arith.constant 0 : i32
    %dma_wait3A_47 = arith.constant 0 : i32
    %dma_wait3A_48 = tpu.memref_slice %arg9[%dma_wait3A, %dma_wait3A_46, %dma_wait3A_47] : memref<6x128x64xf32, #tpu.memory_space<vmem>> -> memref<1x128x64xf32, #tpu.memory_space<vmem>>
    %dma_wait3A_49 = tpu.memref_squeeze %dma_wait3A_48 : memref<1x128x64xf32, #tpu.memory_space<vmem>> -> memref<128x64xf32, #tpu.memory_space<vmem>>
    %dma_wait3A_50 = arith.constant 0 : i32
    %dma_wait3A_51 = tpu.memref_slice %arg8[%dma_wait3A_45, %dma_wait3A_50] : memref<157x128xi32, #tpu.memory_space<vmem>> -> memref<1x128xi32, #tpu.memory_space<vmem>>
    %dma_wait3A_52 = tpu.memref_squeeze %dma_wait3A_51 : memref<1x128xi32, #tpu.memory_space<vmem>> -> memref<128xi32, #tpu.memory_space<vmem>>
    %dma_wait3A_53 = arith.constant 0 : i32
    %dma_wait3A_54 = arith.constant 0 : i32
    %dma_wait3A_55 = tpu.memref_slice %arg10[%dma_wait3A_53, %dma_wait3A_54] : memref<10240x64xf32, #tpu.memory_space<vmem_shared>> -> memref<10240x64xf32, #tpu.memory_space<vmem_shared>>
    tpu.wait_indirect_dma semaphore(%arg12 : memref<!tpu.dma_semaphore, #tpu.memory_space<semaphore_mem>>) src(%dma_wait3A_49 : memref<128x64xf32, #tpu.memory_space<vmem>>) dst(%dma_wait3A_55 : memref<10240x64xf32, #tpu.memory_space<vmem_shared>>)
    %dma_wait3A_56 = arith.constant 5 : i32
    %dma_wait3A_57 = arith.constant 155 : i32
    %dma_wait3A_58 = arith.constant 0 : i32
    %dma_wait3A_59 = arith.constant 0 : i32
    %dma_wait3A_60 = tpu.memref_slice %arg9[%dma_wait3A_56, %dma_wait3A_58, %dma_wait3A_59] : memref<6x128x64xf32, #tpu.memory_space<vmem>> -> memref<1x128x64xf32, #tpu.memory_space<vmem>>
    %dma_wait3A_61 = tpu.memref_squeeze %dma_wait3A_60 : memref<1x128x64xf32, #tpu.memory_space<vmem>> -> memref<128x64xf32, #tpu.memory_space<vmem>>
    %dma_wait3A_62 = arith.constant 0 : i32
    %dma_wait3A_63 = tpu.memref_slice %arg8[%dma_wait3A_57, %dma_wait3A_62] : memref<157x128xi32, #tpu.memory_space<vmem>> -> memref<1x128xi32, #tpu.memory_space<vmem>>
    %dma_wait3A_64 = tpu.memref_squeeze %dma_wait3A_63 : memref<1x128xi32, #tpu.memory_space<vmem>> -> memref<128xi32, #tpu.memory_space<vmem>>
    %dma_wait3A_65 = arith.constant 0 : i32
    %dma_wait3A_66 = arith.constant 0 : i32
    %dma_wait3A_67 = tpu.memref_slice %arg10[%dma_wait3A_65, %dma_wait3A_66] : memref<10240x64xf32, #tpu.memory_space<vmem_shared>> -> memref<10240x64xf32, #tpu.memory_space<vmem_shared>>
    tpu.wait_indirect_dma semaphore(%arg12 : memref<!tpu.dma_semaphore, #tpu.memory_space<semaphore_mem>>) src(%dma_wait3A_61 : memref<128x64xf32, #tpu.memory_space<vmem>>) dst(%dma_wait3A_67 : memref<10240x64xf32, #tpu.memory_space<vmem_shared>>)
    %dma_wait3A_68 = arith.constant 0 : i32
    %dma_wait3A_69 = arith.constant 156 : i32
    %dma_wait3A_70 = arith.constant 0 : i32
    %dma_wait3A_71 = arith.constant 0 : i32
    %dma_wait3A_72 = tpu.memref_slice %arg9[%dma_wait3A_68, %dma_wait3A_70, %dma_wait3A_71] : memref<6x128x64xf32, #tpu.memory_space<vmem>> -> memref<1x128x64xf32, #tpu.memory_space<vmem>>
    %dma_wait3A_73 = tpu.memref_squeeze %dma_wait3A_72 : memref<1x128x64xf32, #tpu.memory_space<vmem>> -> memref<128x64xf32, #tpu.memory_space<vmem>>
    %dma_wait3A_74 = arith.constant 0 : i32
    %dma_wait3A_75 = tpu.memref_slice %arg8[%dma_wait3A_69, %dma_wait3A_74] : memref<157x128xi32, #tpu.memory_space<vmem>> -> memref<1x128xi32, #tpu.memory_space<vmem>>
    %dma_wait3A_76 = tpu.memref_squeeze %dma_wait3A_75 : memref<1x128xi32, #tpu.memory_space<vmem>> -> memref<128xi32, #tpu.memory_space<vmem>>
    %dma_wait3A_77 = arith.constant 0 : i32
    %dma_wait3A_78 = arith.constant 0 : i32
    %dma_wait3A_79 = tpu.memref_slice %arg10[%dma_wait3A_77, %dma_wait3A_78] : memref<10240x64xf32, #tpu.memory_space<vmem_shared>> -> memref<10240x64xf32, #tpu.memory_space<vmem_shared>>
    tpu.wait_indirect_dma semaphore(%arg12 : memref<!tpu.dma_semaphore, #tpu.memory_space<semaphore_mem>>) src(%dma_wait3A_73 : memref<128x64xf32, #tpu.memory_space<vmem>>) dst(%dma_wait3A_79 : memref<10240x64xf32, #tpu.memory_space<vmem_shared>>)
    %barrier3A_80 = arith.constant 0 : index
    tpu.barrier barrier_id(%barrier3A_80)
    %mul3A_81 = arith.constant 640 : i32
    %mul3A_82 = arith.muli %arg1, %mul3A_81 : i32
    %mul3A_83 = arith.constant 640 : i32
    %mul3A_84 = arith.muli %arg1, %mul3A_83 : i32
    "tpu.region"() ({
      %run_scoped3A = tpu.sem_alloc : memref<!tpu.dma_semaphore, #tpu.memory_space<semaphore_mem>>
      %dma_start3A_85 = arith.constant 0 : i32
      %dma_start3A_86 = arith.constant 0 : i32
      %dma_start3A_87 = tpu.memref_slice %arg6[%arg0, %dma_start3A_85, %dma_start3A_86] : memref<2x10240x64xf32, #tpu.memory_space<hbm>> -> memref<1x10240x64xf32, #tpu.memory_space<hbm>>
      %dma_start3A_88 = tpu.memref_squeeze %dma_start3A_87 : memref<1x10240x64xf32, #tpu.memory_space<hbm>> -> memref<10240x64xf32, #tpu.memory_space<hbm>>
      %dma_start3A_89 = arith.constant 0 : i32
      %dma_start3A_90 = tpu.memref_slice %dma_start3A_88[%mul3A_84, %dma_start3A_89] : memref<10240x64xf32, #tpu.memory_space<hbm>> -> memref<640x64xf32, #tpu.memory_space<hbm>>
      %dma_start3A_91 = arith.constant 0 : i32
      %dma_start3A_92 = tpu.memref_slice %arg10[%mul3A_82, %dma_start3A_91] : memref<10240x64xf32, #tpu.memory_space<vmem_shared>> -> memref<640x64xf32, #tpu.memory_space<vmem_shared>>
      tpu.enqueue_dma source(%dma_start3A_92 : memref<640x64xf32, #tpu.memory_space<vmem_shared>>) target(%dma_start3A_90 : memref<640x64xf32, #tpu.memory_space<hbm>>) target_semaphore(%run_scoped3A : memref<!tpu.dma_semaphore, #tpu.memory_space<semaphore_mem>>)
      %dma_wait3A_93 = arith.constant 0 : i32
      %dma_wait3A_94 = arith.constant 0 : i32
      %dma_wait3A_95 = tpu.memref_slice %arg6[%arg0, %dma_wait3A_93, %dma_wait3A_94] : memref<2x10240x64xf32, #tpu.memory_space<hbm>> -> memref<1x10240x64xf32, #tpu.memory_space<hbm>>
      %dma_wait3A_96 = tpu.memref_squeeze %dma_wait3A_95 : memref<1x10240x64xf32, #tpu.memory_space<hbm>> -> memref<10240x64xf32, #tpu.memory_space<hbm>>
      %dma_wait3A_97 = arith.constant 0 : i32
      %dma_wait3A_98 = tpu.memref_slice %dma_wait3A_96[%mul3A_84, %dma_wait3A_97] : memref<10240x64xf32, #tpu.memory_space<hbm>> -> memref<640x64xf32, #tpu.memory_space<hbm>>
      %dma_wait3A_99 = arith.constant 0 : i32
      %dma_wait3A_100 = tpu.memref_slice %arg10[%mul3A_82, %dma_wait3A_99] : memref<10240x64xf32, #tpu.memory_space<vmem_shared>> -> memref<640x64xf32, #tpu.memory_space<vmem_shared>>
      tpu.wait_dma2 semaphore(%run_scoped3A : memref<!tpu.dma_semaphore, #tpu.memory_space<semaphore_mem>>) src(%dma_wait3A_100 : memref<640x64xf32, #tpu.memory_space<vmem_shared>>) dst(%dma_wait3A_98 : memref<640x64xf32, #tpu.memory_space<hbm>>)
      tpu.yield
    }) : () -> ()
    return
  }
}

module attributes {stable_mosaic.version = 14 : i64} {
  func.func @_tc1a_body(%arg0: i32, %arg1: memref<1280x128xf32, #tpu.memory_space<vmem>>, %arg2: memref<128x128xf32, #tpu.memory_space<vmem>>, %arg3: memref<1280x128xf32, #tpu.memory_space<vmem>>) attributes {dimension_semantics = [#tpu.dimension_semantics<arbitrary>], iteration_bounds = array<i64: 8>, scalar_prefetch = 0 : i64, scratch_operands = 0 : i64, tpu.core_type = #tpu.core_type<tc>, window_params = [{transform_indices = @transform_0, window_bounds = array<i64: 1280, 128>}, {pipeline_mode = #tpu.pipeline_mode<synchronous>, transform_indices = @transform_1, window_bounds = array<i64: 128, 128>}, {transform_indices = @transform_2, window_bounds = array<i64: 1280, 128>}]} {
    %get3A = arith.constant 0 : index
    %get3A_0 = arith.constant 0 : index
    %get3A_1 = vector.load %arg1[%get3A, %get3A_0] : memref<1280x128xf32, #tpu.memory_space<vmem>>, vector<1280x128xf32>
    %get3A_2 = arith.constant 0 : index
    %get3A_3 = arith.constant 0 : index
    %get3A_4 = vector.load %arg2[%get3A_2, %get3A_3] : memref<128x128xf32, #tpu.memory_space<vmem>>, vector<128x128xf32>
    %dot_general3A = arith.constant dense<0.000000e+00> : vector<1280x128xf32>
    %dot_general3A_5 = tpu.matmul %get3A_1, %get3A_4, %dot_general3A {dimension_numbers = #tpu.dot_dimension_numbers<[1], [0], [0], [1], [0, 0, 1, 1], [], []>, transpose_lhs_hint = false} : vector<1280x128xf32>, vector<128x128xf32>, vector<1280x128xf32> -> vector<1280x128xf32>
    %swap3A = arith.constant 0 : index
    %swap3A_6 = arith.constant 0 : index
    %swap3A_7 = vector.load %arg3[%swap3A, %swap3A_6] : memref<1280x128xf32, #tpu.memory_space<vmem>>, vector<1280x128xf32>
    tpu.vector_store %arg3[%swap3A, %swap3A_6], %dot_general3A_5 {strides = array<i32>} : memref<1280x128xf32, #tpu.memory_space<vmem>>, vector<1280x128xf32>,
    return
  }
  func.func @transform_0(%arg0: i32) -> (i32, i32) {
    %c0_i32 = arith.constant 0 : i32
    %c0_i32_0 = arith.constant 0 : i32
    return %arg0, %c0_i32 : i32, i32
  }
  func.func @transform_1(%arg0: i32) -> (i32, i32) {
    %c0_i32 = arith.constant 0 : i32
    %c0_i32_0 = arith.constant 0 : i32
    %c0_i32_1 = arith.constant 0 : i32
    return %c0_i32, %c0_i32_0 : i32, i32
  }
  func.func @transform_2(%arg0: i32) -> (i32, i32) {
    %c0_i32 = arith.constant 0 : i32
    %c0_i32_0 = arith.constant 0 : i32
    return %arg0, %c0_i32 : i32, i32
  }
}

module attributes {stable_mosaic.version = 14 : i64} {
  func.func @_tc1b_body(%arg0: i32, %arg1: memref<1280x128xf32, #tpu.memory_space<vmem>>, %arg2: memref<2x1280x16xf32, #tpu.memory_space<vmem>>, %arg3: memref<1280x128xf32, #tpu.memory_space<vmem>>) attributes {dimension_semantics = [#tpu.dimension_semantics<arbitrary>], iteration_bounds = array<i64: 8>, scalar_prefetch = 0 : i64, scratch_operands = 0 : i64, tpu.core_type = #tpu.core_type<tc>, window_params = [{transform_indices = @transform_0, window_bounds = array<i64: 1280, 128>}, {transform_indices = @transform_1, window_bounds = array<i64: 2, 1280, 16>}, {transform_indices = @transform_2, window_bounds = array<i64: 1280, 128>}]} {
    %get3A = arith.constant 0 : index
    %get3A_0 = arith.constant 0 : index
    %get3A_1 = vector.load %arg1[%get3A, %get3A_0] : memref<1280x128xf32, #tpu.memory_space<vmem>>, vector<1280x128xf32>
    %get3A_2 = arith.constant 0 : index
    %get3A_3 = arith.constant 0 : index
    %get3A_4 = arith.constant 0 : index
    %get3A_5 = vector.load %arg2[%get3A_2, %get3A_3, %get3A_4] : memref<2x1280x16xf32, #tpu.memory_space<vmem>>, vector<2x1280x16xf32>
    %slice3A = vector.extract_strided_slice %get3A_5 {offsets = [0, 0, 0], sizes = [1, 1280, 1], strides = [1, 1, 1]} : vector<2x1280x16xf32> to vector<1x1280x1xf32>
    %squeeze3A = vector.shape_cast %slice3A : vector<1x1280x1xf32> to vector<1280x1xf32>
    %slice3A_6 = vector.extract_strided_slice %get3A_5 {offsets = [1, 0, 0], sizes = [1, 1280, 1], strides = [1, 1, 1]} : vector<2x1280x16xf32> to vector<1x1280x1xf32>
    %squeeze3A_7 = vector.shape_cast %slice3A_6 : vector<1x1280x1xf32> to vector<1280x1xf32>
    %add3A = arith.addf %squeeze3A, %squeeze3A_7 : vector<1280x1xf32>
    %add3A_8 = arith.constant 1.000000e+00 : f32
    %add3A_9 = vector.broadcast %add3A_8 : f32 to vector<1280x1xf32>
    %add3A_10 = arith.addf %add3A, %add3A_9 : vector<1280x1xf32>
    %max3A = arith.constant 1.000000e+00 : f32
    %max3A_11 = vector.broadcast %max3A : f32 to vector<1280x1xf32>
    %max3A_12 = arith.maximumf %add3A_10, %max3A_11 : vector<1280x1xf32>
    %rsqrt3A = math.rsqrt %max3A_12 : vector<1280x1xf32>
    %mul3A = vector.broadcast %rsqrt3A : vector<1280x1xf32> to vector<1280x128xf32>
    %mul3A_13 = arith.mulf %get3A_1, %mul3A : vector<1280x128xf32>
    %swap3A = arith.constant 0 : index
    %swap3A_14 = arith.constant 0 : index
    %swap3A_15 = vector.load %arg3[%swap3A, %swap3A_14] : memref<1280x128xf32, #tpu.memory_space<vmem>>, vector<1280x128xf32>
    tpu.vector_store %arg3[%swap3A, %swap3A_14], %mul3A_13 {strides = array<i32>} : memref<1280x128xf32, #tpu.memory_space<vmem>>, vector<1280x128xf32>,
    return
  }
  func.func @transform_0(%arg0: i32) -> (i32, i32) {
    %c0_i32 = arith.constant 0 : i32
    %c0_i32_0 = arith.constant 0 : i32
    return %arg0, %c0_i32 : i32, i32
  }
  func.func @transform_1(%arg0: i32) -> (i32, i32, i32) {
    %c0_i32 = arith.constant 0 : i32
    %c0_i32_0 = arith.constant 0 : i32
    %c0_i32_1 = arith.constant 0 : i32
    return %c0_i32, %arg0, %c0_i32_0 : i32, i32, i32
  }
  func.func @transform_2(%arg0: i32) -> (i32, i32) {
    %c0_i32 = arith.constant 0 : i32
    %c0_i32_0 = arith.constant 0 : i32
    return %arg0, %c0_i32 : i32, i32
  }
}

module attributes {stable_mosaic.version = 14 : i64} {
  func.func @_tc2_body(%arg0: i32, %arg1: memref<2x1280x64xf32, #tpu.memory_space<vmem>>, %arg2: memref<1280x128xf32, #tpu.memory_space<vmem>>, %arg3: memref<2x1280x16xf32, #tpu.memory_space<vmem>>, %arg4: memref<1x128xf32, #tpu.memory_space<vmem>>, %arg5: memref<128x128xf32, #tpu.memory_space<vmem>>, %arg6: memref<128x128xf32, #tpu.memory_space<vmem>>, %arg7: memref<1280x128xf32, #tpu.memory_space<vmem>>) attributes {dimension_semantics = [#tpu.dimension_semantics<arbitrary>], iteration_bounds = array<i64: 8>, scalar_prefetch = 0 : i64, scratch_operands = 0 : i64, tpu.core_type = #tpu.core_type<tc>, window_params = [{transform_indices = @transform_0, window_bounds = array<i64: 2, 1280, 64>}, {transform_indices = @transform_1, window_bounds = array<i64: 1280, 128>}, {transform_indices = @transform_2, window_bounds = array<i64: 2, 1280, 16>}, {pipeline_mode = #tpu.pipeline_mode<synchronous>, transform_indices = @transform_3, window_bounds = array<i64: 1, 128>}, {pipeline_mode = #tpu.pipeline_mode<synchronous>, transform_indices = @transform_4, window_bounds = array<i64: 128, 128>}, {pipeline_mode = #tpu.pipeline_mode<synchronous>, transform_indices = @transform_5, window_bounds = array<i64: 128, 128>}, {transform_indices = @transform_6, window_bounds = array<i64: 1280, 128>}]} {
    %get3A = arith.constant 0 : index
    %get3A_0 = arith.constant 0 : index
    %get3A_1 = arith.constant 0 : index
    %get3A_2 = vector.load %arg3[%get3A, %get3A_0, %get3A_1] : memref<2x1280x16xf32, #tpu.memory_space<vmem>>, vector<2x1280x16xf32>
    %slice3A = vector.extract_strided_slice %get3A_2 {offsets = [0, 0, 0], sizes = [1, 1280, 1], strides = [1, 1, 1]} : vector<2x1280x16xf32> to vector<1x1280x1xf32>
    %squeeze3A = vector.shape_cast %slice3A : vector<1x1280x1xf32> to vector<1280x1xf32>
    %slice3A_3 = vector.extract_strided_slice %get3A_2 {offsets = [1, 0, 0], sizes = [1, 1280, 1], strides = [1, 1, 1]} : vector<2x1280x16xf32> to vector<1x1280x1xf32>
    %squeeze3A_4 = vector.shape_cast %slice3A_3 : vector<1x1280x1xf32> to vector<1280x1xf32>
    %add3A = arith.addf %squeeze3A, %squeeze3A_4 : vector<1280x1xf32>
    %add3A_5 = arith.constant 1.000000e+00 : f32
    %add3A_6 = vector.broadcast %add3A_5 : f32 to vector<1280x1xf32>
    %add3A_7 = arith.addf %add3A, %add3A_6 : vector<1280x1xf32>
    %max3A = arith.constant 1.000000e+00 : f32
    %max3A_8 = vector.broadcast %max3A : f32 to vector<1280x1xf32>
    %max3A_9 = arith.maximumf %add3A_7, %max3A_8 : vector<1280x1xf32>
    %rsqrt3A = math.rsqrt %max3A_9 : vector<1280x1xf32>
    %get3A_10 = arith.constant 0 : index
    %get3A_11 = arith.constant 0 : index
    %get3A_12 = arith.constant 0 : index
    %get3A_13 = vector.load %arg1[%get3A_10, %get3A_11, %get3A_12] : memref<2x1280x64xf32, #tpu.memory_space<vmem>>, vector<2x1280x64xf32>
    %slice3A_14 = vector.extract_strided_slice %get3A_13 {offsets = [0, 0, 0], sizes = [1, 1280, 64], strides = [1, 1, 1]} : vector<2x1280x64xf32> to vector<1x1280x64xf32>
    %squeeze3A_15 = vector.shape_cast %slice3A_14 : vector<1x1280x64xf32> to vector<1280x64xf32>
    %slice3A_16 = vector.extract_strided_slice %get3A_13 {offsets = [1, 0, 0], sizes = [1, 1280, 64], strides = [1, 1, 1]} : vector<2x1280x64xf32> to vector<1x1280x64xf32>
    %squeeze3A_17 = vector.shape_cast %slice3A_16 : vector<1x1280x64xf32> to vector<1280x64xf32>
    %concatenate3A = tpu.concatenate %squeeze3A_15, %squeeze3A_17 in 1 : vector<1280x64xf32>, vector<1280x64xf32> -> vector<1280x128xf32>
    %get3A_18 = arith.constant 0 : index
    %get3A_19 = arith.constant 0 : index
    %get3A_20 = vector.load %arg2[%get3A_18, %get3A_19] : memref<1280x128xf32, #tpu.memory_space<vmem>>, vector<1280x128xf32>
    %add3A_21 = arith.addf %concatenate3A, %get3A_20 : vector<1280x128xf32>
    %mul3A = vector.broadcast %rsqrt3A : vector<1280x1xf32> to vector<1280x128xf32>
    %mul3A_22 = arith.mulf %add3A_21, %mul3A : vector<1280x128xf32>
    %get3A_23 = arith.constant 0 : index
    %get3A_24 = arith.constant 0 : index
    %get3A_25 = vector.load %arg4[%get3A_23, %get3A_24] : memref<1x128xf32, #tpu.memory_space<vmem>>, vector<1x128xf32>
    %add3A_26 = vector.broadcast %get3A_25 : vector<1x128xf32> to vector<1280x128xf32>
    %add3A_27 = arith.addf %mul3A_22, %add3A_26 : vector<1280x128xf32>
    %max3A_28 = arith.constant 0.000000e+00 : f32
    %max3A_29 = vector.broadcast %max3A_28 : f32 to vector<1280x128xf32>
    %max3A_30 = arith.maximumf %add3A_27, %max3A_29 : vector<1280x128xf32>
    %get3A_31 = arith.constant 0 : index
    %get3A_32 = arith.constant 0 : index
    %get3A_33 = vector.load %arg5[%get3A_31, %get3A_32] : memref<128x128xf32, #tpu.memory_space<vmem>>, vector<128x128xf32>
    %get3A_34 = arith.constant 0 : index
    %get3A_35 = arith.constant 0 : index
    %get3A_36 = vector.load %arg6[%get3A_34, %get3A_35] : memref<128x128xf32, #tpu.memory_space<vmem>>, vector<128x128xf32>
    %dot_general3A = arith.constant dense<0.000000e+00> : vector<128x128xf32>
    %dot_general3A_37 = tpu.matmul %get3A_33, %get3A_36, %dot_general3A {dimension_numbers = #tpu.dot_dimension_numbers<[1], [0], [0], [1], [0, 0, 1, 1], [], []>, transpose_lhs_hint = false} : vector<128x128xf32>, vector<128x128xf32>, vector<128x128xf32> -> vector<128x128xf32>
    %dot_general3A_38 = arith.constant dense<0.000000e+00> : vector<1280x128xf32>
    %dot_general3A_39 = tpu.matmul %max3A_30, %dot_general3A_37, %dot_general3A_38 {dimension_numbers = #tpu.dot_dimension_numbers<[1], [0], [0], [1], [0, 0, 1, 1], [], []>, transpose_lhs_hint = false} : vector<1280x128xf32>, vector<128x128xf32>, vector<1280x128xf32> -> vector<1280x128xf32>
    %mul3A_40 = vector.broadcast %rsqrt3A : vector<1280x1xf32> to vector<1280x128xf32>
    %mul3A_41 = arith.mulf %dot_general3A_39, %mul3A_40 : vector<1280x128xf32>
    %swap3A = arith.constant 0 : index
    %swap3A_42 = arith.constant 0 : index
    %swap3A_43 = vector.load %arg7[%swap3A, %swap3A_42] : memref<1280x128xf32, #tpu.memory_space<vmem>>, vector<1280x128xf32>
    tpu.vector_store %arg7[%swap3A, %swap3A_42], %mul3A_41 {strides = array<i32>} : memref<1280x128xf32, #tpu.memory_space<vmem>>, vector<1280x128xf32>,
    return
  }
  func.func @transform_0(%arg0: i32) -> (i32, i32, i32) {
    %c0_i32 = arith.constant 0 : i32
    %c0_i32_0 = arith.constant 0 : i32
    %c0_i32_1 = arith.constant 0 : i32
    return %c0_i32, %arg0, %c0_i32_0 : i32, i32, i32
  }
  func.func @transform_1(%arg0: i32) -> (i32, i32) {
    %c0_i32 = arith.constant 0 : i32
    %c0_i32_0 = arith.constant 0 : i32
    return %arg0, %c0_i32 : i32, i32
  }
  func.func @transform_2(%arg0: i32) -> (i32, i32, i32) {
    %c0_i32 = arith.constant 0 : i32
    %c0_i32_0 = arith.constant 0 : i32
    %c0_i32_1 = arith.constant 0 : i32
    return %c0_i32, %arg0, %c0_i32_0 : i32, i32, i32
  }
  func.func @transform_3(%arg0: i32) -> (i32, i32) {
    %c0_i32 = arith.constant 0 : i32
    %c0_i32_0 = arith.constant 0 : i32
    %c0_i32_1 = arith.constant 0 : i32
    return %c0_i32, %c0_i32_0 : i32, i32
  }
  func.func @transform_4(%arg0: i32) -> (i32, i32) {
    %c0_i32 = arith.constant 0 : i32
    %c0_i32_0 = arith.constant 0 : i32
    %c0_i32_1 = arith.constant 0 : i32
    return %c0_i32, %c0_i32_0 : i32, i32
  }
  func.func @transform_5(%arg0: i32) -> (i32, i32) {
    %c0_i32 = arith.constant 0 : i32
    %c0_i32_0 = arith.constant 0 : i32
    %c0_i32_1 = arith.constant 0 : i32
    return %c0_i32, %c0_i32_0 : i32, i32
  }
  func.func @transform_6(%arg0: i32) -> (i32, i32) {
    %c0_i32 = arith.constant 0 : i32
    %c0_i32_0 = arith.constant 0 : i32
    return %arg0, %c0_i32 : i32, i32
  }
}

module attributes {stable_mosaic.version = 14 : i64} {
  func.func @_tct_body(%arg0: i32, %arg1: memref<1280x2xf32, #tpu.memory_space<vmem>>, %arg2: memref<2x128xf32, #tpu.memory_space<vmem>>, %arg3: memref<1x128xf32, #tpu.memory_space<vmem>>, %arg4: memref<128x128xf32, #tpu.memory_space<vmem>>, %arg5: memref<1x128xf32, #tpu.memory_space<vmem>>, %arg6: memref<128x128xf32, #tpu.memory_space<vmem>>, %arg7: memref<1x128xf32, #tpu.memory_space<vmem>>, %arg8: memref<1280x128xf32, #tpu.memory_space<vmem>>) attributes {dimension_semantics = [#tpu.dimension_semantics<arbitrary>], iteration_bounds = array<i64: 8>, scalar_prefetch = 0 : i64, scratch_operands = 0 : i64, tpu.core_type = #tpu.core_type<tc>, window_params = [{transform_indices = @transform_0, window_bounds = array<i64: 1280, 2>}, {pipeline_mode = #tpu.pipeline_mode<synchronous>, transform_indices = @transform_1, window_bounds = array<i64: 2, 128>}, {pipeline_mode = #tpu.pipeline_mode<synchronous>, transform_indices = @transform_2, window_bounds = array<i64: 1, 128>}, {pipeline_mode = #tpu.pipeline_mode<synchronous>, transform_indices = @transform_3, window_bounds = array<i64: 128, 128>}, {pipeline_mode = #tpu.pipeline_mode<synchronous>, transform_indices = @transform_4, window_bounds = array<i64: 1, 128>}, {pipeline_mode = #tpu.pipeline_mode<synchronous>, transform_indices = @transform_5, window_bounds = array<i64: 128, 128>}, {pipeline_mode = #tpu.pipeline_mode<synchronous>, transform_indices = @transform_6, window_bounds = array<i64: 1, 128>}, {transform_indices = @transform_7, window_bounds = array<i64: 1280, 128>}]} {
    %get3A = arith.constant 0 : index
    %get3A_0 = arith.constant 0 : index
    %get3A_1 = vector.load %arg1[%get3A, %get3A_0] : memref<1280x2xf32, #tpu.memory_space<vmem>>, vector<1280x2xf32>
    %slice3A = vector.extract_strided_slice %get3A_1 {offsets = [0, 0], sizes = [1280, 1], strides = [1, 1]} : vector<1280x2xf32> to vector<1280x1xf32>
    %get3A_2 = arith.constant 0 : index
    %get3A_3 = arith.constant 0 : index
    %get3A_4 = vector.load %arg2[%get3A_2, %get3A_3] : memref<2x128xf32, #tpu.memory_space<vmem>>, vector<1x128xf32>
    %mul3A = vector.broadcast %slice3A : vector<1280x1xf32> to vector<1280x128xf32>
    %mul3A_5 = vector.broadcast %get3A_4 : vector<1x128xf32> to vector<1280x128xf32>
    %mul3A_6 = arith.mulf %mul3A, %mul3A_5 : vector<1280x128xf32>
    %slice3A_7 = vector.extract_strided_slice %get3A_1 {offsets = [0, 1], sizes = [1280, 1], strides = [1, 1]} : vector<1280x2xf32> to vector<1280x1xf32>
    %get3A_8 = arith.constant 1 : index
    %get3A_9 = arith.constant 0 : index
    %get3A_10 = vector.load %arg2[%get3A_8, %get3A_9] : memref<2x128xf32, #tpu.memory_space<vmem>>, vector<1x128xf32>
    %mul3A_11 = vector.broadcast %slice3A_7 : vector<1280x1xf32> to vector<1280x128xf32>
    %mul3A_12 = vector.broadcast %get3A_10 : vector<1x128xf32> to vector<1280x128xf32>
    %mul3A_13 = arith.mulf %mul3A_11, %mul3A_12 : vector<1280x128xf32>
    %add3A = arith.addf %mul3A_6, %mul3A_13 : vector<1280x128xf32>
    %get3A_14 = arith.constant 0 : index
    %get3A_15 = arith.constant 0 : index
    %get3A_16 = vector.load %arg3[%get3A_14, %get3A_15] : memref<1x128xf32, #tpu.memory_space<vmem>>, vector<1x128xf32>
    %add3A_17 = vector.broadcast %get3A_16 : vector<1x128xf32> to vector<1280x128xf32>
    %add3A_18 = arith.addf %add3A, %add3A_17 : vector<1280x128xf32>
    %max3A = arith.constant 0.000000e+00 : f32
    %max3A_19 = vector.broadcast %max3A : f32 to vector<1280x128xf32>
    %max3A_20 = arith.maximumf %add3A_18, %max3A_19 : vector<1280x128xf32>
    %get3A_21 = arith.constant 0 : index
    %get3A_22 = arith.constant 0 : index
    %get3A_23 = vector.load %arg5[%get3A_21, %get3A_22] : memref<1x128xf32, #tpu.memory_space<vmem>>, vector<1x128xf32>
    %get3A_24 = arith.constant 0 : index
    %get3A_25 = arith.constant 0 : index
    %get3A_26 = vector.load %arg6[%get3A_24, %get3A_25] : memref<128x128xf32, #tpu.memory_space<vmem>>, vector<128x128xf32>
    %dot_general3A = arith.constant dense<0.000000e+00> : vector<1x128xf32>
    %dot_general3A_27 = tpu.matmul %get3A_23, %get3A_26, %dot_general3A {dimension_numbers = #tpu.dot_dimension_numbers<[1], [0], [0], [1], [0, 0, 1, 1], [], []>, transpose_lhs_hint = false} : vector<1x128xf32>, vector<128x128xf32>, vector<1x128xf32> -> vector<1x128xf32>
    %get3A_28 = arith.constant 0 : index
    %get3A_29 = arith.constant 0 : index
    %get3A_30 = vector.load %arg7[%get3A_28, %get3A_29] : memref<1x128xf32, #tpu.memory_space<vmem>>, vector<1x128xf32>
    %add3A_31 = arith.addf %dot_general3A_27, %get3A_30 : vector<1x128xf32>
    %get3A_32 = arith.constant 0 : index
    %get3A_33 = arith.constant 0 : index
    %get3A_34 = vector.load %arg4[%get3A_32, %get3A_33] : memref<128x128xf32, #tpu.memory_space<vmem>>, vector<128x128xf32>
    %dot_general3A_35 = arith.constant dense<0.000000e+00> : vector<1280x128xf32>
    %dot_general3A_36 = tpu.matmul %max3A_20, %get3A_34, %dot_general3A_35 {dimension_numbers = #tpu.dot_dimension_numbers<[1], [0], [0], [1], [0, 0, 1, 1], [], []>, transpose_lhs_hint = false} : vector<1280x128xf32>, vector<128x128xf32>, vector<1280x128xf32> -> vector<1280x128xf32>
    %add3A_37 = vector.broadcast %add3A_31 : vector<1x128xf32> to vector<1280x128xf32>
    %add3A_38 = arith.addf %dot_general3A_36, %add3A_37 : vector<1280x128xf32>
    %swap3A = arith.constant 0 : index
    %swap3A_39 = arith.constant 0 : index
    %swap3A_40 = vector.load %arg8[%swap3A, %swap3A_39] : memref<1280x128xf32, #tpu.memory_space<vmem>>, vector<1280x128xf32>
    tpu.vector_store %arg8[%swap3A, %swap3A_39], %add3A_38 {strides = array<i32>} : memref<1280x128xf32, #tpu.memory_space<vmem>>, vector<1280x128xf32>,
    return
  }
  func.func @transform_0(%arg0: i32) -> (i32, i32) {
    %c0_i32 = arith.constant 0 : i32
    %c0_i32_0 = arith.constant 0 : i32
    return %arg0, %c0_i32 : i32, i32
  }
  func.func @transform_1(%arg0: i32) -> (i32, i32) {
    %c0_i32 = arith.constant 0 : i32
    %c0_i32_0 = arith.constant 0 : i32
    %c0_i32_1 = arith.constant 0 : i32
    return %c0_i32, %c0_i32_0 : i32, i32
  }
  func.func @transform_2(%arg0: i32) -> (i32, i32) {
    %c0_i32 = arith.constant 0 : i32
    %c0_i32_0 = arith.constant 0 : i32
    %c0_i32_1 = arith.constant 0 : i32
    return %c0_i32, %c0_i32_0 : i32, i32
  }
  func.func @transform_3(%arg0: i32) -> (i32, i32) {
    %c0_i32 = arith.constant 0 : i32
    %c0_i32_0 = arith.constant 0 : i32
    %c0_i32_1 = arith.constant 0 : i32
    return %c0_i32, %c0_i32_0 : i32, i32
  }
  func.func @transform_4(%arg0: i32) -> (i32, i32) {
    %c0_i32 = arith.constant 0 : i32
    %c0_i32_0 = arith.constant 0 : i32
    %c0_i32_1 = arith.constant 0 : i32
    return %c0_i32, %c0_i32_0 : i32, i32
  }
  func.func @transform_5(%arg0: i32) -> (i32, i32) {
    %c0_i32 = arith.constant 0 : i32
    %c0_i32_0 = arith.constant 0 : i32
    %c0_i32_1 = arith.constant 0 : i32
    return %c0_i32, %c0_i32_0 : i32, i32
  }
  func.func @transform_6(%arg0: i32) -> (i32, i32) {
    %c0_i32 = arith.constant 0 : i32
    %c0_i32_0 = arith.constant 0 : i32
    %c0_i32_1 = arith.constant 0 : i32
    return %c0_i32, %c0_i32_0 : i32, i32
  }
  func.func @transform_7(%arg0: i32) -> (i32, i32) {
    %c0_i32 = arith.constant 0 : i32
    %c0_i32_0 = arith.constant 0 : i32
    return %arg0, %c0_i32 : i32, i32
  }
}

module attributes {stable_mosaic.version = 14 : i64} {
  func.func @_tc3_body(%arg0: i32, %arg1: memref<2x1000x64xf32, #tpu.memory_space<vmem>>, %arg2: memref<1000x128xf32, #tpu.memory_space<vmem>>, %arg3: memref<2x1000x16xf32, #tpu.memory_space<vmem>>, %arg4: memref<1000x128xf32, #tpu.memory_space<vmem>>, %arg5: memref<1000x128xf32, #tpu.memory_space<vmem>>) attributes {dimension_semantics = [#tpu.dimension_semantics<arbitrary>], iteration_bounds = array<i64: 10>, scalar_prefetch = 0 : i64, scratch_operands = 0 : i64, tpu.core_type = #tpu.core_type<tc>, window_params = [{transform_indices = @transform_0, window_bounds = array<i64: 2, 1000, 64>}, {transform_indices = @transform_1, window_bounds = array<i64: 1000, 128>}, {transform_indices = @transform_2, window_bounds = array<i64: 2, 1000, 16>}, {transform_indices = @transform_3, window_bounds = array<i64: 1000, 128>}, {transform_indices = @transform_4, window_bounds = array<i64: 1000, 128>}]} {
    %get3A = arith.constant 0 : index
    %get3A_0 = arith.constant 0 : index
    %get3A_1 = arith.constant 0 : index
    %get3A_2 = vector.load %arg3[%get3A, %get3A_0, %get3A_1] : memref<2x1000x16xf32, #tpu.memory_space<vmem>>, vector<2x1000x16xf32>
    %slice3A = vector.extract_strided_slice %get3A_2 {offsets = [0, 0, 0], sizes = [1, 1000, 1], strides = [1, 1, 1]} : vector<2x1000x16xf32> to vector<1x1000x1xf32>
    %squeeze3A = vector.shape_cast %slice3A : vector<1x1000x1xf32> to vector<1000x1xf32>
    %slice3A_3 = vector.extract_strided_slice %get3A_2 {offsets = [1, 0, 0], sizes = [1, 1000, 1], strides = [1, 1, 1]} : vector<2x1000x16xf32> to vector<1x1000x1xf32>
    %squeeze3A_4 = vector.shape_cast %slice3A_3 : vector<1x1000x1xf32> to vector<1000x1xf32>
    %add3A = arith.addf %squeeze3A, %squeeze3A_4 : vector<1000x1xf32>
    %add3A_5 = arith.constant 1.000000e+00 : f32
    %add3A_6 = vector.broadcast %add3A_5 : f32 to vector<1000x1xf32>
    %add3A_7 = arith.addf %add3A, %add3A_6 : vector<1000x1xf32>
    %max3A = arith.constant 1.000000e+00 : f32
    %max3A_8 = vector.broadcast %max3A : f32 to vector<1000x1xf32>
    %max3A_9 = arith.maximumf %add3A_7, %max3A_8 : vector<1000x1xf32>
    %rsqrt3A = math.rsqrt %max3A_9 : vector<1000x1xf32>
    %get3A_10 = arith.constant 0 : index
    %get3A_11 = arith.constant 0 : index
    %get3A_12 = arith.constant 0 : index
    %get3A_13 = vector.load %arg1[%get3A_10, %get3A_11, %get3A_12] : memref<2x1000x64xf32, #tpu.memory_space<vmem>>, vector<2x1000x64xf32>
    %slice3A_14 = vector.extract_strided_slice %get3A_13 {offsets = [0, 0, 0], sizes = [1, 1000, 64], strides = [1, 1, 1]} : vector<2x1000x64xf32> to vector<1x1000x64xf32>
    %squeeze3A_15 = vector.shape_cast %slice3A_14 : vector<1x1000x64xf32> to vector<1000x64xf32>
    %slice3A_16 = vector.extract_strided_slice %get3A_13 {offsets = [1, 0, 0], sizes = [1, 1000, 64], strides = [1, 1, 1]} : vector<2x1000x64xf32> to vector<1x1000x64xf32>
    %squeeze3A_17 = vector.shape_cast %slice3A_16 : vector<1x1000x64xf32> to vector<1000x64xf32>
    %concatenate3A = tpu.concatenate %squeeze3A_15, %squeeze3A_17 in 1 : vector<1000x64xf32>, vector<1000x64xf32> -> vector<1000x128xf32>
    %get3A_18 = arith.constant 0 : index
    %get3A_19 = arith.constant 0 : index
    %get3A_20 = vector.load %arg2[%get3A_18, %get3A_19] : memref<1000x128xf32, #tpu.memory_space<vmem>>, vector<1000x128xf32>
    %add3A_21 = arith.addf %concatenate3A, %get3A_20 : vector<1000x128xf32>
    %mul3A = vector.broadcast %rsqrt3A : vector<1000x1xf32> to vector<1000x128xf32>
    %mul3A_22 = arith.mulf %add3A_21, %mul3A : vector<1000x128xf32>
    %get3A_23 = arith.constant 0 : index
    %get3A_24 = arith.constant 0 : index
    %get3A_25 = vector.load %arg4[%get3A_23, %get3A_24] : memref<1000x128xf32, #tpu.memory_space<vmem>>, vector<1000x128xf32>
    %add3A_26 = arith.addf %mul3A_22, %get3A_25 : vector<1000x128xf32>
    %swap3A = arith.constant 0 : index
    %swap3A_27 = arith.constant 0 : index
    %swap3A_28 = vector.load %arg5[%swap3A, %swap3A_27] : memref<1000x128xf32, #tpu.memory_space<vmem>>, vector<1000x128xf32>
    tpu.vector_store %arg5[%swap3A, %swap3A_27], %add3A_26 {strides = array<i32>} : memref<1000x128xf32, #tpu.memory_space<vmem>>, vector<1000x128xf32>,
    return
  }
  func.func @transform_0(%arg0: i32) -> (i32, i32, i32) {
    %c0_i32 = arith.constant 0 : i32
    %c0_i32_0 = arith.constant 0 : i32
    %c0_i32_1 = arith.constant 0 : i32
    return %c0_i32, %arg0, %c0_i32_0 : i32, i32, i32
  }
  func.func @transform_1(%arg0: i32) -> (i32, i32) {
    %c0_i32 = arith.constant 0 : i32
    %c0_i32_0 = arith.constant 0 : i32
    return %arg0, %c0_i32 : i32, i32
  }
  func.func @transform_2(%arg0: i32) -> (i32, i32, i32) {
    %c0_i32 = arith.constant 0 : i32
    %c0_i32_0 = arith.constant 0 : i32
    %c0_i32_1 = arith.constant 0 : i32
    return %c0_i32, %arg0, %c0_i32_0 : i32, i32, i32
  }
  func.func @transform_3(%arg0: i32) -> (i32, i32) {
    %c0_i32 = arith.constant 0 : i32
    %c0_i32_0 = arith.constant 0 : i32
    return %arg0, %c0_i32 : i32, i32
  }
  func.func @transform_4(%arg0: i32) -> (i32, i32) {
    %c0_i32 = arith.constant 0 : i32
    %c0_i32_0 = arith.constant 0 : i32
    return %arg0, %c0_i32 : i32, i32
  }
}

</mosaic_0001>

<sc_bundles>
// kernel: kernel.10.cloned.1.call-start
scs
__scs_entry_jumppad:
0x0: {  	(pc) =	sbr.rel $0x88, $3  }
0x1: {  	(tag) =	ssettag $0x0;
	lr =	simm.s32 $0x1  }
0x2: {  	[smem:$0x3F96] =	sst lr;
	_ =	strace $0xD0000000  }
0x3: {  	_ = 	snop  }
0x4: {  	_ = 	snop  }
0x5: {  	_ = 	snop  }
0x6: {  	_ = 	snop  }
0x7: {  	_ = 	snop  }
__scs_overlays_trampoline_lowered:
0x8: {  	[smem:$0x3FA5] =	sst s0  }
0x9: {  	[smem:$0x3FA6] =	sst s1  }
0xa: {  	[smem:$0x3FA7] =	sst s2  }
0xb: {  	[smem:$0x3FA8] =	sst s3  }
0xc: {  	[smem:$0x3FA9] =	sst s4  }
0xd: {  	[smem:$0x3FAA] =	sst s5  }
0xe: {  	[smem:$0x3FAB] =	sst s6  }
0xf: {  	[smem:$0x3FAC] =	sst s7  }
0x10: {  	[smem:$0x3FAD] =	sst s8  }
0x11: {  	[smem:$0x3FAE] =	sst s9;
	s0 =	simm.s32 @!p0 $0x0  }
0x12: {  	s1 =	sld [smem:$0x3F94];
	s0 =	simm.s32 @p0 $0x1  }
0x13: {  	[smem:$0x3FAF] =	sst s0;
	s0 =	simm.s32 @!p1 $0x0  }
0x14: {  	s2 =	sld [smem:$0x3F93];
	s0 =	simm.s32 @p1 $0x1  }
0x15: {  	[smem:$0x3FB0] =	sst s0;
	s0 =	simm.s32 @!p2 $0x0  }
0x16: {  	s3 =	sld [smem:$0x3FDB];
	s0 =	simm.s32 @p2 $0x1  }
0x17: {  	s4 =	simm.s32 $0x1BF5;
	[smem:$0x3FB2] =	sst s0  }
0x18: {  	s0 =	sld [smem:$0x3F95];
	_ =	swait.ge [sflag:s4], $0x0  }
0x19: {  	s7 =	sld [smem:$0x3F96]  }
0x1a: {  	s8 =	sadd.s32 $0xFFFFE003, lr  }
0x1b: {  	s9 =	sadd.s32 $0xFFFFFEF7, lr;
	s5 =	simm.s32 $0xFFFFFFFF;
	p2 =	slt.u32 s8, $0xFFFFF086  }
0x1c: {  	p1 =	slt.u32 s9, $0xF7A;
	s5 =	simm.s32 @!p2 $0x0  }
0x1d: {  	s5 =	simm.s32 @p1 $0x1;
	p0 =	seq.s32 s7, s2  }
0x1e: {  	s7 =	smul.u32 @!p0 $0xF7A, s2;
	p2 =	seq.s32 @!p0 s5, $0x0  }
0x1f: {  	s9 =	smul.u32 $0xF7A, s1;
	s8 =	simm.s32 @!p0 $0x1BF5;
	p2 =	por !p2, p0  }
0x20: {  	[sflag:s8] =	ssyncset.s32 @!p0 $0xFFFFF086;
	s6 =	sadd.s32 @!p0 s3, s7;
	s7 =	simm.s32 @!p0 $0x108  }
0x21: {  	s3 =	sadd.s32 s3, s9;
	s6 =	sadd.s32 @!p0 $0x88, s6;
	s7 =	simm.s32 @p2 $0x1082  }
0x22: {  	[simem:s7], [sflag:s8] =	dma.local @!p0 [hbm:s6], $0xF7A  }
0x23: {  	s9 =	sor.u32 $0xD0000000, s2;
	s6 =	simm.s32 $0x108;
	_ =	swait.ge @!p0 [sflag:s8], $0x0  }
0x24: {  	s3 =	sadd.s32 $0x88, s3;
	s6 =	simm.s32 @!p1 $0x1082;
	[sflag:s4] =	ssyncset.s32 $0xFFFFF086  }
0x25: {  	[simem:s6], [sflag:s4] =	dma.local [hbm:s3], $0xF7A  }
0x26: {  	[smem:$0x3F96] =	sst s1;
	(tag) =	ssettag s2;
	_ =	strace s9  }
0x27: {  	s1 =	sld [smem:$0x3FA6]  }
0x28: {  	s2 =	sld [smem:$0x3FA7]  }
0x29: {  	s4 =	sld [smem:$0x3FA9]  }
0x2a: {  	p0 =	seq.s32 s5, $0x0;
	s5 =	sld [smem:$0x3FAA]  }
0x2b: {  	s6 =	sld [smem:$0x3FAB]  }
0x2c: {  	s7 =	sld [smem:$0x3FAC]  }
0x2d: {  	s3 =	simm.s32 $0x108;
	s8 =	sld [smem:$0x3FAD]  }
0x2e: {  	s3 =	simm.s32 @!p0 $0x1082;
	s9 =	sld [smem:$0x3FAE]  }
0x2f: {  	lr =	sadd.s32 s0, s3;
	s0 =	sld [smem:$0x3FA5]  }
0x30: {  	s3 =	sld [smem:$0x3FA8]  }
0x31: {  	[smem:$0x3FB1] =	sst s10  }
0x32: {  	s10 =	sld [smem:$0x3FAF];
	_ =	sdelay $0x3  }
0x33: {  	p0 =	seq.s32 s10, $0x1;
	s10 =	sld [smem:$0x3FB1];
	_ =	sdelay $0x3  }
0x34: {  	[smem:$0x3FB1] =	sst s10  }
0x35: {  	s10 =	sld [smem:$0x3FB0];
	_ =	sdelay $0x3  }
0x36: {  	p1 =	seq.s32 s10, $0x1;
	s10 =	sld [smem:$0x3FB1];
	_ =	sdelay $0x3  }
0x37: {  	[smem:$0x3FB1] =	sst s10  }
0x38: {  	s10 =	sld [smem:$0x3FB2]  }
0x39: {  	_ = 	snop;
	(pc) =	sbr.ind lr, $3  }
0x3a: {  	_ = 	snop  }
0x3b: {  	_ = 	snop  }
0x3c: {  	p2 =	seq.s32 s10, $0x1;
	s10 =	sld [smem:$0x3FB1]  }
0x3d: {  	_ =	shalt  }
0x3e: {  	_ =	shalt  }
0x3f: {  	_ =	shalt  }
0x40: {  	_ =	shalt  }
0x41: {  	_ =	shalt  }
0x42: {  	_ =	shalt  }
0x43: {  	_ =	shalt  }
0x44: {  	_ =	shalt  }
0x45: {  	_ =	shalt  }
0x46: {  	_ =	shalt  }
0x47: {  	_ =	shalt  }
0x48: {  	_ =	shalt  }
0x49: {  	_ =	shalt  }
0x4a: {  	_ =	shalt  }
0x4b: {  	_ =	shalt  }
0x4c: {  	_ =	shalt  }
0x4d: {  	_ =	shalt  }
0x4e: {  	_ =	shalt  }
0x4f: {  	_ =	shalt  }
0x50: {  	_ =	shalt  }
0x51: {  	_ =	shalt  }
0x52: {  	_ =	shalt  }
0x53: {  	_ =	shalt  }
0x54: {  	_ =	shalt  }
0x55: {  	_ =	shalt  }
0x56: {  	_ =	shalt  }
0x57: {  	_ =	shalt  }
0x58: {  	_ =	shalt  }
0x59: {  	_ =	shalt  }
0x5a: {  	_ =	shalt  }
0x5b: {  	_ =	shalt  }
0x5c: {  	_ =	shalt  }
0x5d: {  	_ =	shalt  }
0x5e: {  	_ =	shalt  }
0x5f: {  	_ =	shalt  }
0x60: {  	_ =	shalt  }
0x61: {  	_ =	shalt  }
0x62: {  	_ =	shalt  }
0x63: {  	_ =	shalt  }
0x64: {  	_ =	shalt  }
0x65: {  	_ =	shalt  }
0x66: {  	_ =	shalt  }
0x67: {  	_ =	shalt  }
0x68: {  	_ =	shalt  }
0x69: {  	_ =	shalt  }
0x6a: {  	_ =	shalt  }
0x6b: {  	_ =	shalt  }
0x6c: {  	_ =	shalt  }
0x6d: {  	_ =	shalt  }
0x6e: {  	_ =	shalt  }
0x6f: {  	_ =	shalt  }
0x70: {  	_ =	shalt  }
0x71: {  	_ =	shalt  }
0x72: {  	_ =	shalt  }
0x73: {  	_ =	shalt  }
0x74: {  	_ =	shalt  }
0x75: {  	_ =	shalt  }
0x76: {  	_ =	shalt  }
0x77: {  	_ =	shalt  }
0x78: {  	_ =	shalt  }
0x79: {  	_ =	shalt  }
0x7a: {  	_ =	shalt  }
0x7b: {  	_ =	shalt  }
0x7c: {  	_ =	shalt  }
0x7d: {  	_ =	shalt  }
0x7e: {  	_ =	shalt  }
0x7f: {  	_ =	shalt  }
0x80: {  	_ =	shalt  }
0x81: {  	_ =	shalt  }
0x82: {  	_ =	shalt  }
0x83: {  	_ =	shalt  }
0x84: {  	_ =	shalt  }
0x85: {  	_ =	shalt  }
0x86: {  	_ =	shalt  }
0x87: {  	_ =	shalt  }
.Lfunc_end0:
.L_simem_size_0:
called_computation_lowered:
.L_overlay_start_0:
0x88: {  	s2 =	sld [smem:$0x3FD9]  }
0x89: {  	s3 =	sld [smem:$0x3FFE];
	_ =	sdelay $0x1  }
0x8a: {  	s1 =	srdreg.scid  }
0x8b: {  	s0 =	sand.u32 $0x1, s1  }
0x8c: {  	s17 =	sshll.u32 s0, $0xA;
	s2 =	sadd.s32 s3, s2  }
0x8d: {  	s2 =	sadd.s32 s2, s17  }
0x8e: {  	[smem:$0x3FBD] =	sst s2  }
0x8f: {  	_ = 	snop  }
0x90: {  	s2 =	sld [smem:$0x3FD0];
	(tm) =	ssettm $0x1  }
0x91: {  	s18 =	sld [smem:$0x3FFB];
	_ =	sdelay $0x3  }
0x92: {  	_ =	strace s18  }
0x93: {  	s3 =	sld [smem:$0x3FFC];
	_ =	sdelay $0x3  }
0x94: {  	_ =	strace s3  }
0x95: {  	s3 =	sld [smem:$0x3FFD];
	_ =	sdelay $0x3  }
0x96: {  	_ =	strace s3  }
0x97: {  	_ =	strace $0x8FFFFFFF  }
0x98: {  	s19 =	sld [smem:$0x3FDB];
	_ =	sdelay $0x1  }
0x99: {  	s4 =	simm.s32 $_scs_section_size  }
0x9a: {  	s5 =	simm.s32 $_size__tile_overlayer_lowered;
	s6 =	simm.s32 $_tile_overlayer_lowered  }
0x9b: {  	s22 =	simm.s32 $0x1BFF;
	s21 =	sshll.u32 s6, $0x1;
	s3 =	sadd.s32 s4, s19  }
0x9c: {  	s7 =	simm.s32 $0x0;
	s20 =	sshll.u32 s5, $0x1;
	s5 =	sadd.s32 s21, s3  }
0x9d: {  	[timem:s7], [sflag:s22] =	dma.local [hbm:s5], s20  }
0x9e: {  	_ =	swait.ge [sflag:s22], s20  }
0x9f: {  	s4 =	ssub.s32 $0x0, s20;
	[sflag:s22] =	ssyncset.done $0x0  }
0xa0: {  	[sflag:s22] =	ssyncadd.s32 s4;
	_ =	sdelay $0x1  }
0xa1: {  	s23 =	simm.s32 $0x1B8B  }
0xa2: {  	_ =	swait.ge [sflag:s23], $0x1  }
0xa3: {  	[sflag:s23] =	ssyncset.done $0x0  }
0xa4: {  	s25 =	simm.s32 $0x1B8E;
	s24 =	sld [smem:$0x3FFE];
	[sflag:s23] =	ssyncadd.s32 $0xFFFFFFFF  }
0xa5: {  	s26 =	simm.s32 $execute0_lowered;
	[smem:$0x3FD2] =	sst s25  }
0xa6: {  	s5 =	sshll.u32 s26, $0x1;
	_ =	strace $0x80000046;
	[dreg:$0x1] =	wrdreg $0xFFFFFFFF  }
0xa7: {  	s28 =	simm.s32 $_size_execute0_lowered;
	s3 =	sadd.s32 s3, s5;
	[dreg:$0x0] =	wrdreg $0x0  }
0xa8: {  	s5 =	sshll.u32 s28, $0x1;
	[dreg:$0x2] =	wrdreg s3  }
0xa9: {  	[dreg:$0x3] =	wrdreg s5  }
0xaa: {  	[dreg:$0x4] =	wrdreg $0xC0  }
0xab: {  	_ =	task [dreg:s7], $0x5FFFF  }
0xac: {  	[dreg:$0x1] =	wrdreg $0xFFFFFFFF  }
0xad: {  	[dreg:$0x0] =	wrdreg $0x60  }
0xae: {  	[dreg:$0x2] =	wrdreg s24  }
0xaf: {  	[dreg:$0x3] =	wrdreg s2  }
0xb0: {  	[dreg:$0x4] =	wrdreg $0x2F800  }
0xb1: {  	[dreg:$0x5] =	wrdreg $0x9  }
0xb2: {  	_ =	task.clear_ibuf [dreg:s7], $0x6FFFF;
	_ =	strace $0x90000046  }
0xb3: {  	s29 =	simm.s32 $0x9;
	_ =	strace $0x80000048  }
0xb4: {  	_ =	swait.ge [sflag:s29], $0x1  }
0xb5: {  	[sflag:s29] =	ssyncadd.s32 $0xFFFFFFFF  }
0xb6: {  	_ =	strace $0x90000048  }
0xb7: {  	_ =	sfence  }
0xb8: {  	s30 =	sld [smem:$0x0];
	_ =	sdelay $0x2  }
0xb9: {  	s31 =	sshll.u32 s1, $0xD;
	s1 =	sshrl.u32 s1, $0x2  }
0xba: {  	s3 =	sand.u32 $0x4000, s31;
	s1 =	sadd.s32 s1, s30  }
0xbb: {  	s0 =	sor.u32 s3, s0;
	s1 =	sshll.u32 s1, $0x11  }
0xbc: {  	s0 =	sor.u32 s1, s0  }
0xbd: {  	s0 =	sadd.s32 $0x8F2B, s0  }
0xbe: {  	[sflag:s0] =	ssyncadd.remote.s32 $0x1  }
0xbf: {  	_ =	sfence.sel $0xFFFF  }
0xc0: {  	[dreg:$0x0] =	wrdreg $0xFFFFFFFF;
	(pc) =	sbr.abs _section_cstart, $3  }
0xc1: {  	[dreg:$0x1] =	wrdreg $0xFFFFFFFF  }
0xc2: {  	_ =	task.clear_ibuf [dreg:s7], $0x2FFFF;
	_ =	strace $0x9FFFFFFF  }
0xc3: {  	(tm) =	ssettm $0x7FFFFFFF  }
tec
execute0_lowered:
.L_overlay_start_1:
0x0: {  	(tag) =	ssettag $0x1  }
0x1: {  	s4 =	rddreg [dreg:$0x0]  }
0x2: {  	s8 =	rddreg [dreg:$0x1]  }
0x3: {  	s0 =	srdreg.scid;
	s2 =	rddreg [dreg:$0x2];
	s3 =	simm.s32 $0x0  }
0x4: {  	s5 =	sand.u32 $0x1, s0;
	s0 =	stileid.u32;
	[smem:$0x7FF] =	sst s3  }
0x5: {  	s1 =	sshll.u32 s5, $0x4;
	s7 =	smul.u32 $0x2800, s0;
	s30 =	ssub.s32 $0x2, s5  }
0x6: {  	s31 =	sshll.u32 s0, $0x6;
	s12 =	smul.u32 $0x5000, s5;
	s6 =	sor.u32 s0, s1  }
0x7: {  	s1 =	rddreg [dreg:$0x3];
	_ =	strace $0x80000047;
	s11 =	sshrl.u32 s30, $0x1  }
0x8: {  	s6 =	smul.u32 $0x4F0, s6;
	s13 =	sshrl.u32 s7, $0x3;
	s11 =	ssub.s32 s30, s11  }
0x9: {  	s14 =	sadd.s32 s7, s2;
	s15 =	sadd.s32 s8, s12;
	s12 =	simm.s32 $0x80  }
0xa: {  	s10 =	sadd.s32 s13, s4;
	s8 =	smax.u32 s11, $0x1;
	s11 =	simm.s32 $0x2780  }
0xb: {  	s13 =	sadd.s32 s13, s15;
	s9 =	sadd.s32 s6, s4;
	s4 =	sadd.s32 $0x12C00, s4  }
0xc: {  	s5 =	sadd.s32 $0xDC00, s10;
	s6 =	sor.u32 $0x1C01, s31;
	s10 =	simm.s32 $0x1  }
0xd: {  	s7 =	sadd.s32 $0x3E00, s9;
	s9 =	sshrl.u32 s14, $0x3;
	s14 =	simm.s32 $0x0  }
.LBB2_1:
0xe: {  	[spmem:s9], [sflag:s6] =	dma.local [hbm:s5], $0x500  }
0xf: {  	_ =	swait.ge [sflag:s10], $0x500  }
0x10: {  	[sflag:s10] =	ssyncset.done $0x0  }
0x11: {  	[sflag:s10] =	ssyncadd.s32 $0xFFFFFB00  }
0x12: {  	[tilespmem:s11], [sflag:$0x1] =	stream.linear.gather [hbm4b:s4+s3], $0x800, $0x38;
	[tilespmem:$0x5780] =	vst v63  }
0x13: {  	_ =	swait.ge [sflag:s10], $0x800  }
0x14: {  	[sflag:s10] =	ssyncset.done $0x0  }
0x15: {  	[sflag:s10] =	ssyncadd.s32 $0xFFFFF800  }
0x16: {  	[tilespmem:s3], [sflag:$0x1] =	stream.linear.gather [hbm4b:s7+s3], $0x2780, $0x38;
	[tilespmem:$0x5780] =	vst v63  }
0x17: {  	_ =	swait.ge [sflag:s10], $0x2780  }
0x18: {  	[sflag:s10] =	ssyncset.done $0x0  }
0x19: {  	[sflag:s10] =	ssyncadd.s32 $0xFFFFD880  }
0x1a: {  	s15 =	simm.s32 $0x0;
	[bflag:$0x0] =	sbarrier.arrive $0xFFFF  }
0x1b: {  	[spmem:s2] =	stream.indirect.scatter.add.f32 [tilespmem:s11], [sflag:$0x1], $0x10, s15, s12, $0xb8;
	[tilespmem:$0x5780] =	vst v63  }
0x1c: {  	_ =	swait.ge [sflag:s10], $0x800  }
0x1d: {  	s15 =	simm.s32 $0x200;
	[sflag:s10] =	ssyncset.done $0x0  }
.LBB2_2:
0x1e: {  	s16 =	sshra.s32 s15, $0x2;
	[sflag:s10] =	ssyncadd.s32 $0xFFFFF800;
	p0 =	sne.s32 s15, $0x9C00  }
0x1f: {  	[spmem:s2] =	stream.indirect.scatter.add.f32 [tilespmem:s11], [sflag:$0x1], $0x10, s16, s12, $0xb8;
	[tilespmem:$0x5780] =	vst v63  }
.Ltmp0:
0x20: {  	_ = 	snop;
	(pc) =	sbr.rel @p0 .LBB2_2-.Ltmp0, $4  }
0x21: {  	_ = 	snop  }
0x22: {  	s15 =	sadd.s32 $0x200, s15  }
0x23: {  	_ =	swait.ge [sflag:s10], $0x800  }
0x24: {  	[sflag:s10] =	ssyncset.done $0x0  }
0x25: {  	s14 =	sadd.s32 $0x1, s14  }
0x26: {  	[sflag:s10] =	ssyncadd.s32 $0xFFFFF800;
	p0 =	sne.s32 s14, s8  }
.Ltmp1:
0x27: {  	[bflag:$0x0] =	sbarrier.arrive $0xFFFF;
	(pc) =	sbr.rel @p0 .LBB2_1-.Ltmp1, $4  }
0x28: {  	[hbm:s13], [sflag:s6] =	dma.local [spmem:s9], $0x500  }
0x29: {  	_ =	swait.ge [sflag:s10], $0x500  }
0x2a: {  	[sflag:s10] =	ssyncset.done $0x0  }
0x2b: {  	[sflag:s10] =	ssyncadd.s32 $0xFFFFFB00  }
0x2c: {  	_ =	sfence.sel $0x180000  }
0x2d: {  	[bflag:$0x0] =	sbarrier.arrive $0xFFFF  }
0x2e: {  	p0 =	sne.s32 s0, $0x0;
	_ =	strace $0x90000047  }
0x2f: {  	s0 =	sadd.s32 @!p0 $0x100000, s1;
	[bflag:$0x2] =	sbarrier.arrive $0xFFFF  }
0x30: {  	[sflag:s0] =	ssyncadd.tile.s32 @!p0 $0x1;
	_ =	shalt  }
.Lfunc_end2:
_tile_overlayer_lowered:
.L_overlay_start_2:
0x31: {  	(tag) =	ssettag $0x2  }
0x32: {  	s0 =	rddreg [dreg:$0x0];
	s2 =	stileid.u32  }
0x33: {  	s1 =	rddreg [dreg:$0x1];
	p0 =	sne.s32 s2, $0x0  }
0x34: {  	s3 =	rddreg [dreg:$0x2];
	[bflag:$0x3] =	sbarrier.arrive $0xFFFF;
	s2 =	simm.s32 @!p0 $0x1C01  }
0x35: {  	[timem:s3], [sflag:s2] =	dma.local @!p0 [hbm:s0], s1  }
0x36: {  	s0 =	simm.s32 @!p0 $0x1  }
0x37: {  	_ =	swait.ge @!p0 [sflag:s0], s1  }
0x38: {  	s1 =	ssub.s32 @!p0 $0x0, s1;
	[sflag:s0] =	ssyncset.done @!p0 $0x0  }
0x39: {  	[sflag:s0] =	ssyncadd.s32 @!p0 s1  }
0x3a: {  	[bflag:$0x3] =	sbarrier.arrive $0xFFFF  }
0x3b: {  	_ =	shalt  }

// kernel: kernel.13.cloned.1.call-start
scs
__scs_entry_jumppad:
0x0: {  	(pc) =	sbr.rel $0x88, $3  }
0x1: {  	(tag) =	ssettag $0x0;
	lr =	simm.s32 $0x1  }
0x2: {  	[smem:$0x3F96] =	sst lr;
	_ =	strace $0xD0000000  }
0x3: {  	_ = 	snop  }
0x4: {  	_ = 	snop  }
0x5: {  	_ = 	snop  }
0x6: {  	_ = 	snop  }
0x7: {  	_ = 	snop  }
__scs_overlays_trampoline_lowered:
0x8: {  	[smem:$0x3FA5] =	sst s0  }
0x9: {  	[smem:$0x3FA6] =	sst s1  }
0xa: {  	[smem:$0x3FA7] =	sst s2  }
0xb: {  	[smem:$0x3FA8] =	sst s3  }
0xc: {  	[smem:$0x3FA9] =	sst s4  }
0xd: {  	[smem:$0x3FAA] =	sst s5  }
0xe: {  	[smem:$0x3FAB] =	sst s6  }
0xf: {  	[smem:$0x3FAC] =	sst s7  }
0x10: {  	[smem:$0x3FAD] =	sst s8  }
0x11: {  	[smem:$0x3FAE] =	sst s9;
	s0 =	simm.s32 @!p0 $0x0  }
0x12: {  	s1 =	sld [smem:$0x3F94];
	s0 =	simm.s32 @p0 $0x1  }
0x13: {  	[smem:$0x3FAF] =	sst s0;
	s0 =	simm.s32 @!p1 $0x0  }
0x14: {  	s2 =	sld [smem:$0x3F93];
	s0 =	simm.s32 @p1 $0x1  }
0x15: {  	[smem:$0x3FB0] =	sst s0;
	s0 =	simm.s32 @!p2 $0x0  }
0x16: {  	s3 =	sld [smem:$0x3FDB];
	s0 =	simm.s32 @p2 $0x1  }
0x17: {  	s4 =	simm.s32 $0x1BF5;
	[smem:$0x3FB2] =	sst s0  }
0x18: {  	s0 =	sld [smem:$0x3F95];
	_ =	swait.ge [sflag:s4], $0x0  }
0x19: {  	s7 =	sld [smem:$0x3F96]  }
0x1a: {  	s8 =	sadd.s32 $0xFFFFE003, lr  }
0x1b: {  	s9 =	sadd.s32 $0xFFFFFEF7, lr;
	s5 =	simm.s32 $0xFFFFFFFF;
	p2 =	slt.u32 s8, $0xFFFFF086  }
0x1c: {  	p1 =	slt.u32 s9, $0xF7A;
	s5 =	simm.s32 @!p2 $0x0  }
0x1d: {  	s5 =	simm.s32 @p1 $0x1;
	p0 =	seq.s32 s7, s2  }
0x1e: {  	s7 =	smul.u32 @!p0 $0xF7A, s2;
	p2 =	seq.s32 @!p0 s5, $0x0  }
0x1f: {  	s9 =	smul.u32 $0xF7A, s1;
	s8 =	simm.s32 @!p0 $0x1BF5;
	p2 =	por !p2, p0  }
0x20: {  	[sflag:s8] =	ssyncset.s32 @!p0 $0xFFFFF086;
	s6 =	sadd.s32 @!p0 s3, s7;
	s7 =	simm.s32 @!p0 $0x108  }
0x21: {  	s3 =	sadd.s32 s3, s9;
	s6 =	sadd.s32 @!p0 $0x88, s6;
	s7 =	simm.s32 @p2 $0x1082  }
0x22: {  	[simem:s7], [sflag:s8] =	dma.local @!p0 [hbm:s6], $0xF7A  }
0x23: {  	s9 =	sor.u32 $0xD0000000, s2;
	s6 =	simm.s32 $0x108;
	_ =	swait.ge @!p0 [sflag:s8], $0x0  }
0x24: {  	s3 =	sadd.s32 $0x88, s3;
	s6 =	simm.s32 @!p1 $0x1082;
	[sflag:s4] =	ssyncset.s32 $0xFFFFF086  }
0x25: {  	[simem:s6], [sflag:s4] =	dma.local [hbm:s3], $0xF7A  }
0x26: {  	[smem:$0x3F96] =	sst s1;
	(tag) =	ssettag s2;
	_ =	strace s9  }
0x27: {  	s1 =	sld [smem:$0x3FA6]  }
0x28: {  	s2 =	sld [smem:$0x3FA7]  }
0x29: {  	s4 =	sld [smem:$0x3FA9]  }
0x2a: {  	p0 =	seq.s32 s5, $0x0;
	s5 =	sld [smem:$0x3FAA]  }
0x2b: {  	s6 =	sld [smem:$0x3FAB]  }
0x2c: {  	s7 =	sld [smem:$0x3FAC]  }
0x2d: {  	s3 =	simm.s32 $0x108;
	s8 =	sld [smem:$0x3FAD]  }
0x2e: {  	s3 =	simm.s32 @!p0 $0x1082;
	s9 =	sld [smem:$0x3FAE]  }
0x2f: {  	lr =	sadd.s32 s0, s3;
	s0 =	sld [smem:$0x3FA5]  }
0x30: {  	s3 =	sld [smem:$0x3FA8]  }
0x31: {  	[smem:$0x3FB1] =	sst s10  }
0x32: {  	s10 =	sld [smem:$0x3FAF];
	_ =	sdelay $0x3  }
0x33: {  	p0 =	seq.s32 s10, $0x1;
	s10 =	sld [smem:$0x3FB1];
	_ =	sdelay $0x3  }
0x34: {  	[smem:$0x3FB1] =	sst s10  }
0x35: {  	s10 =	sld [smem:$0x3FB0];
	_ =	sdelay $0x3  }
0x36: {  	p1 =	seq.s32 s10, $0x1;
	s10 =	sld [smem:$0x3FB1];
	_ =	sdelay $0x3  }
0x37: {  	[smem:$0x3FB1] =	sst s10  }
0x38: {  	s10 =	sld [smem:$0x3FB2]  }
0x39: {  	_ = 	snop;
	(pc) =	sbr.ind lr, $3  }
0x3a: {  	_ = 	snop  }
0x3b: {  	_ = 	snop  }
0x3c: {  	p2 =	seq.s32 s10, $0x1;
	s10 =	sld [smem:$0x3FB1]  }
0x3d: {  	_ =	shalt  }
0x3e: {  	_ =	shalt  }
0x3f: {  	_ =	shalt  }
0x40: {  	_ =	shalt  }
0x41: {  	_ =	shalt  }
0x42: {  	_ =	shalt  }
0x43: {  	_ =	shalt  }
0x44: {  	_ =	shalt  }
0x45: {  	_ =	shalt  }
0x46: {  	_ =	shalt  }
0x47: {  	_ =	shalt  }
0x48: {  	_ =	shalt  }
0x49: {  	_ =	shalt  }
0x4a: {  	_ =	shalt  }
0x4b: {  	_ =	shalt  }
0x4c: {  	_ =	shalt  }
0x4d: {  	_ =	shalt  }
0x4e: {  	_ =	shalt  }
0x4f: {  	_ =	shalt  }
0x50: {  	_ =	shalt  }
0x51: {  	_ =	shalt  }
0x52: {  	_ =	shalt  }
0x53: {  	_ =	shalt  }
0x54: {  	_ =	shalt  }
0x55: {  	_ =	shalt  }
0x56: {  	_ =	shalt  }
0x57: {  	_ =	shalt  }
0x58: {  	_ =	shalt  }
0x59: {  	_ =	shalt  }
0x5a: {  	_ =	shalt  }
0x5b: {  	_ =	shalt  }
0x5c: {  	_ =	shalt  }
0x5d: {  	_ =	shalt  }
0x5e: {  	_ =	shalt  }
0x5f: {  	_ =	shalt  }
0x60: {  	_ =	shalt  }
0x61: {  	_ =	shalt  }
0x62: {  	_ =	shalt  }
0x63: {  	_ =	shalt  }
0x64: {  	_ =	shalt  }
0x65: {  	_ =	shalt  }
0x66: {  	_ =	shalt  }
0x67: {  	_ =	shalt  }
0x68: {  	_ =	shalt  }
0x69: {  	_ =	shalt  }
0x6a: {  	_ =	shalt  }
0x6b: {  	_ =	shalt  }
0x6c: {  	_ =	shalt  }
0x6d: {  	_ =	shalt  }
0x6e: {  	_ =	shalt  }
0x6f: {  	_ =	shalt  }
0x70: {  	_ =	shalt  }
0x71: {  	_ =	shalt  }
0x72: {  	_ =	shalt  }
0x73: {  	_ =	shalt  }
0x74: {  	_ =	shalt  }
0x75: {  	_ =	shalt  }
0x76: {  	_ =	shalt  }
0x77: {  	_ =	shalt  }
0x78: {  	_ =	shalt  }
0x79: {  	_ =	shalt  }
0x7a: {  	_ =	shalt  }
0x7b: {  	_ =	shalt  }
0x7c: {  	_ =	shalt  }
0x7d: {  	_ =	shalt  }
0x7e: {  	_ =	shalt  }
0x7f: {  	_ =	shalt  }
0x80: {  	_ =	shalt  }
0x81: {  	_ =	shalt  }
0x82: {  	_ =	shalt  }
0x83: {  	_ =	shalt  }
0x84: {  	_ =	shalt  }
0x85: {  	_ =	shalt  }
0x86: {  	_ =	shalt  }
0x87: {  	_ =	shalt  }
.Lfunc_end0:
.L_simem_size_0:
called_computation.1_lowered:
.L_overlay_start_0:
0x88: {  	s2 =	sld [smem:$0x3FD9]  }
0x89: {  	s3 =	sld [smem:$0x3FFE];
	_ =	sdelay $0x1  }
0x8a: {  	s1 =	srdreg.scid  }
0x8b: {  	s0 =	sand.u32 $0x1, s1  }
0x8c: {  	s17 =	sshll.u32 s0, $0xA;
	s2 =	sadd.s32 s3, s2  }
0x8d: {  	s2 =	sadd.s32 s2, s17  }
0x8e: {  	[smem:$0x3FBD] =	sst s2  }
0x8f: {  	_ = 	snop  }
0x90: {  	s2 =	sld [smem:$0x3FD0];
	(tm) =	ssettm $0x1  }
0x91: {  	s18 =	sld [smem:$0x3FFB];
	_ =	sdelay $0x3  }
0x92: {  	_ =	strace s18  }
0x93: {  	s3 =	sld [smem:$0x3FFC];
	_ =	sdelay $0x3  }
0x94: {  	_ =	strace s3  }
0x95: {  	s3 =	sld [smem:$0x3FFD];
	_ =	sdelay $0x3  }
0x96: {  	_ =	strace s3  }
0x97: {  	_ =	strace $0x8FFFFFFF  }
0x98: {  	s19 =	sld [smem:$0x3FDB];
	_ =	sdelay $0x1  }
0x99: {  	s4 =	simm.s32 $_scs_section_size  }
0x9a: {  	s5 =	simm.s32 $_size__tile_overlayer_lowered;
	s6 =	simm.s32 $_tile_overlayer_lowered  }
0x9b: {  	s22 =	simm.s32 $0x1BFF;
	s21 =	sshll.u32 s6, $0x1;
	s3 =	sadd.s32 s4, s19  }
0x9c: {  	s7 =	simm.s32 $0x0;
	s20 =	sshll.u32 s5, $0x1;
	s5 =	sadd.s32 s21, s3  }
0x9d: {  	[timem:s7], [sflag:s22] =	dma.local [hbm:s5], s20  }
0x9e: {  	_ =	swait.ge [sflag:s22], s20  }
0x9f: {  	s4 =	ssub.s32 $0x0, s20;
	[sflag:s22] =	ssyncset.done $0x0  }
0xa0: {  	[sflag:s22] =	ssyncadd.s32 s4;
	_ =	sdelay $0x1  }
0xa1: {  	s23 =	simm.s32 $0x1B8B  }
0xa2: {  	_ =	swait.ge [sflag:s23], $0x1  }
0xa3: {  	[sflag:s23] =	ssyncset.done $0x0  }
0xa4: {  	s25 =	simm.s32 $0x1B8E;
	s24 =	sld [smem:$0x3FFE];
	[sflag:s23] =	ssyncadd.s32 $0xFFFFFFFF  }
0xa5: {  	s26 =	simm.s32 $execute0_lowered;
	[smem:$0x3FD2] =	sst s25  }
0xa6: {  	s5 =	sshll.u32 s26, $0x1;
	_ =	strace $0x80000049;
	[dreg:$0x1] =	wrdreg $0xFFFFFFFF  }
0xa7: {  	s28 =	simm.s32 $_size_execute0_lowered;
	s3 =	sadd.s32 s3, s5;
	[dreg:$0x0] =	wrdreg $0x0  }
0xa8: {  	s5 =	sshll.u32 s28, $0x1;
	[dreg:$0x2] =	wrdreg s3  }
0xa9: {  	[dreg:$0x3] =	wrdreg s5  }
0xaa: {  	[dreg:$0x4] =	wrdreg $0xC0  }
0xab: {  	_ =	task [dreg:s7], $0x5FFFF  }
0xac: {  	[dreg:$0x1] =	wrdreg $0xFFFFFFFF  }
0xad: {  	[dreg:$0x0] =	wrdreg $0x60  }
0xae: {  	[dreg:$0x2] =	wrdreg s24  }
0xaf: {  	[dreg:$0x3] =	wrdreg s2  }
0xb0: {  	[dreg:$0x4] =	wrdreg $0x15D000  }
0xb1: {  	[dreg:$0x5] =	wrdreg $0x9  }
0xb2: {  	_ =	task.clear_ibuf [dreg:s7], $0x6FFFF;
	_ =	strace $0x90000049  }
0xb3: {  	s29 =	simm.s32 $0x9;
	_ =	strace $0x8000004B  }
0xb4: {  	_ =	swait.ge [sflag:s29], $0x1  }
0xb5: {  	[sflag:s29] =	ssyncadd.s32 $0xFFFFFFFF  }
0xb6: {  	_ =	strace $0x9000004B  }
0xb7: {  	_ =	sfence  }
0xb8: {  	s30 =	sld [smem:$0x0];
	_ =	sdelay $0x2  }
0xb9: {  	s31 =	sshll.u32 s1, $0xD;
	s1 =	sshrl.u32 s1, $0x2  }
0xba: {  	s3 =	sand.u32 $0x4000, s31;
	s1 =	sadd.s32 s1, s30  }
0xbb: {  	s0 =	sor.u32 s3, s0;
	s1 =	sshll.u32 s1, $0x11  }
0xbc: {  	s0 =	sor.u32 s1, s0  }
0xbd: {  	s0 =	sadd.s32 $0x8F2B, s0  }
0xbe: {  	[sflag:s0] =	ssyncadd.remote.s32 $0x1  }
0xbf: {  	_ =	sfence.sel $0xFFFF  }
0xc0: {  	[dreg:$0x0] =	wrdreg $0xFFFFFFFF;
	(pc) =	sbr.abs _section_cstart, $3  }
0xc1: {  	[dreg:$0x1] =	wrdreg $0xFFFFFFFF  }
0xc2: {  	_ =	task.clear_ibuf [dreg:s7], $0x2FFFF;
	_ =	strace $0x9FFFFFFF  }
0xc3: {  	(tm) =	ssettm $0x7FFFFFFF  }
tec
execute0_lowered:
.L_overlay_start_1:
0x0: {  	(tag) =	ssettag $0x1  }
0x1: {  	s5 =	rddreg [dreg:$0x0]  }
0x2: {  	s0 =	srdreg.scid;
	s6 =	rddreg [dreg:$0x1]  }
0x3: {  	s30 =	stileid.u32;
	s2 =	rddreg [dreg:$0x2];
	s3 =	simm.s32 $0x0  }
0x4: {  	s13 =	simm.s32 $0xBD00;
	s14 =	simm.s32 $0x100;
	s15 =	simm.s32 $0xDD00  }
0x5: {  	s16 =	simm.s32 $0x1;
	s17 =	simm.s32 $0x2;
	s20 =	simm.s32 $0x0  }
0x6: {  	s4 =	sand.u32 $0x1, s0;
	[smem:$0x7FF] =	sst s3;
	s8 =	smul.u32 $0x9D0, s30  }
0x7: {  	s11 =	smul.u32 $0xA000, s30;
	s12 =	sshll.u32 s30, $0x6;
	s1 =	sshll.u32 s4, $0x4  }
0x8: {  	_ =	strace $0x8000004A;
	s9 =	smul.u32 $0x14000, s4;
	s10 =	ssub.s32 $0x2, s4  }
0x9: {  	s4 =	sadd.s32 $0x80600, s5;
	s7 =	sor.u32 s30, s1;
	s8 =	sadd.s32 s8, s5  }
0xa: {  	s31 =	sshrl.u32 s10, $0x1;
	s18 =	sshrl.u32 s11, $0x3;
	s11 =	sadd.s32 s11, s2  }
0xb: {  	s7 =	smul.u32 $0x9D0, s7;
	s9 =	sadd.s32 s9, s5;
	s10 =	ssub.s32 s10, s31  }
0xc: {  	s8 =	sadd.s32 $0x26800, s8;
	s19 =	sadd.s32 $0xA8600, s9;
	s9 =	smax.u32 s10, $0x1  }
0xd: {  	s10 =	sshrl.u32 s11, $0x3;
	s11 =	simm.s32 $0x80;
	s7 =	sadd.s32 s7, s5  }
0xe: {  	s5 =	sadd.s32 s6, s18;
	s6 =	sor.u32 $0x1C03, s12;
	s12 =	simm.s32 $0x9D00  }
0xf: {  	s18 =	sadd.s32 s18, s19;
	s19 =	simm.s32 $0x3;
	s7 =	sadd.s32 $0x12E00, s7  }
.LBB2_1:
0x10: {  	[spmem:s10], [sflag:s6] =	dma.local [hbm:s5], $0x1400  }
0x11: {  	_ =	swait.ge [sflag:s19], $0x1400  }
0x12: {  	[sflag:s19] =	ssyncset.done $0x0  }
0x13: {  	[sflag:s19] =	ssyncadd.s32 $0xFFFFEC00  }
0x14: {  	[tilespmem:s3], [sflag:$0x3] =	stream.linear.gather [hbm4b:s7+s3], $0x4E80, $0x38;
	[tilespmem:$0x1FD00] =	vst v63  }
0x15: {  	_ =	swait.ge [sflag:s19], $0x4E80  }
0x16: {  	[sflag:s19] =	ssyncset.done $0x0  }
0x17: {  	s23 =	simm.s32 $0x4E80;
	[sflag:s19] =	ssyncadd.s32 $0xFFFFB180  }
0x18: {  	[tilespmem:s23], [sflag:$0x3] =	stream.linear.gather [hbm4b:s8+s3], $0x4E80, $0x38;
	[tilespmem:$0x1FD00] =	vst v63  }
0x19: {  	s21 =	simm.s32 $0x0;
	_ =	swait.ge [sflag:s19], $0x4E80  }
0x1a: {  	s21 =	smul.u32 $0xAB, s21;
	[sflag:s19] =	ssyncset.done $0x0  }
0x1b: {  	[sflag:s19] =	ssyncadd.s32 $0xFFFFB180  }
0x1c: {  	p0 =	por $0x0, $0x0;
	s24 =	sshrl.u32 s21, $0xA;
	[bflag:$0x0] =	sbarrier.arrive $0xFFFF  }
0x1d: {  	[tilespmem:s12], [sflag:$0x1] =	stream.indirect.gather [hbm4b:s4+s11], $0x40, s3, s11, $0xb8;
	[tilespmem:$0x1FD00] =	vst v63  }
0x1e: {  	p1 =	por $0x1, $0x1;
	s22 =	smul.u32 @!p0 $0xAB, s19;
	s24 =	sand.u32 $0x3F, s24  }
0x1f: {  	[tilespmem:s13], [sflag:$0x1] =	stream.indirect.gather [hbm4b:s4+s11], $0x40, s11, s11, $0xb8;
	[tilespmem:$0x1FD00] =	vst v63  }
0x20: {  	s25 =	simm.s32 $0x180;
	s26 =	simm.s32 @!p1 $0x2;
	s28 =	smul.u32 $0x6, s24  }
0x21: {  	[tilespmem:s15], [sflag:$0x1] =	stream.indirect.gather [hbm4b:s4+s11], $0x40, s14, s11, $0xb8;
	[tilespmem:$0x1FD00] =	vst v63  }
0x22: {  	s21 =	simm.s32 $0x4;
	s22 =	sshrl.u32 @!p0 s22, $0xA;
	_ =	swait.ge @!p1 [sflag:s26], $0x2000  }
0x23: {  	s22 =	sand.u32 @!p0 $0x3F, s22;
	s28 =	ssub.s32 $0x0, s28;
	[sflag:s26] =	ssyncset.done @!p1 $0x0  }
0x24: {  	s28 =	sand.u32 $0xFF, s28;
	[sflag:s26] =	ssyncadd.s32 @!p1 $0xFFFFE000;
	s26 =	smul.u32 @!p0 $0x6, s22  }
0x25: {  	s24 =	simm.s32 $0x5;
	s28 =	sshll.u32 s28, $0xD;
	_ =	swait.ge [sflag:s16], $0x2000  }
0x26: {  	s31 =	sadd.s32 $0x9D00, s28;
	s26 =	ssub.s32 @!p0 $0x3, s26;
	[sflag:s16] =	ssyncset.done $0x0  }
0x27: {  	s22 =	simm.s32 $0x200;
	s29 =	sand.u32 @!p0 $0xFF, s26;
	[sflag:s16] =	ssyncadd.s32 $0xFFFFE000  }
0x28: {  	[spmem:s2] =	stream.indirect.scatter.add.f32 [tilespmem:s31], [sflag:$0x2], $0x40, s23, s11, $0xb8;
	[tilespmem:$0x1FD00] =	vst v63  }
0x29: {  	p1 =	por $0x1, $0x1;
	s26 =	simm.s32 $0x1;
	s28 =	sshll.u32 @!p0 s29, $0xD  }
0x2a: {  	s23 =	simm.s32 $0x4F00;
	s29 =	simm.s32 @!p0 $0x80;
	s28 =	sadd.s32 @!p0 $0x9D00, s28  }
.LBB2_2:
0x2b: {  	s30 =	simm.s32 @!p1 $0x2  }
0x2c: {  	s31 =	smul.u32 $0xAB, s26;
	s1 =	smov.u32 s21;
	s21 =	smov.u32 s24  }
0x2d: {  	s0 =	smov.u32 s23;
	p2 =	por p0, p0;
	p0 =	sgt.u32 s26, $0x99  }
0x2e: {  	[tilespmem:s28], [sflag:$0x1] =	stream.indirect.gather @!p2 [hbm4b:s4+s29], $0x40, s25, s29, $0xb8;
	[tilespmem:$0x1FD00] =	vst v63  }
0x2f: {  	s24 =	sadd.s32 $0x1, s24;
	s25 =	smul.u32 @!p0 $0xAB, s1;
	_ =	swait.ge @!p1 [sflag:s30], $0x2000  }
0x30: {  	p2 =	sne.s32 s24, $0xA0;
	s28 =	sshrl.u32 s31, $0xA;
	[sflag:s30] =	ssyncset.done @!p1 $0x0  }
0x31: {  	s28 =	sand.u32 $0x3F, s28;
	s25 =	sshrl.u32 @!p0 s25, $0xA;
	[sflag:s30] =	ssyncadd.s32 @!p1 $0xFFFFE000  }
0x32: {  	s28 =	smul.u32 $0x6, s28;
	s29 =	sand.u32 @!p0 $0x3F, s25;
	s25 =	smov.u32 s22  }
0x33: {  	s23 =	sadd.s32 $0x80, s23;
	s22 =	sadd.s32 $0x80, s22;
	s29 =	smul.u32 @!p0 $0x6, s29  }
0x34: {  	s28 =	ssub.s32 s26, s28;
	s26 =	sadd.s32 $0xFFFFFFFD, s21;
	_ =	swait.ge [sflag:s16], $0x2000  }
.Ltmp0:
0x35: {  	s28 =	sand.u32 $0xFF, s28;
	s1 =	ssub.s32 @!p0 s1, s29;
	(pc) =	sbr.rel @p2 .LBB2_2-.Ltmp0, $4  }
0x36: {  	s28 =	sshll.u32 s28, $0xD;
	s1 =	sand.u32 @!p0 $0xFF, s1;
	[sflag:s16] =	ssyncset.done $0x0  }
0x37: {  	s28 =	sadd.s32 $0x9D00, s28;
	s1 =	sshll.u32 @!p0 s1, $0xD;
	[sflag:s16] =	ssyncadd.s32 $0xFFFFE000  }
0x38: {  	[spmem:s2] =	stream.indirect.scatter.add.f32 [tilespmem:s28], [sflag:$0x2], $0x40, s0, s11, $0xb8;
	[tilespmem:$0x1FD00] =	vst v63  }
0x39: {  	p1 =	slt.u32 s26, $0x3;
	s29 =	simm.s32 @!p0 $0x80;
	s28 =	sadd.s32 @!p0 $0x9D00, s1  }
0x3a: {  	s0 =	smul.u32 $0xAB, s26;
	p2 =	sgt.u32 s26, $0x99;
	p0 =	por p0, p0  }
0x3b: {  	[tilespmem:s28], [sflag:$0x1] =	stream.indirect.gather @!p0 [hbm4b:s4+s29], $0x40, s25, s29, $0xb8;
	[tilespmem:$0x1FD00] =	vst v63  }
0x3c: {  	s1 =	smul.u32 @!p2 $0xAB, s21  }
0x3d: {  	s0 =	sshrl.u32 s0, $0xA  }
0x3e: {  	s24 =	simm.s32 @!p1 $0x2;
	s0 =	sand.u32 $0x3F, s0;
	s1 =	sshrl.u32 @!p2 s1, $0xA  }
0x3f: {  	_ =	swait.ge @!p1 [sflag:s24], $0x2000;
	s0 =	smul.u32 $0x6, s0;
	s1 =	sand.u32 @!p2 $0x3F, s1  }
0x40: {  	[sflag:s24] =	ssyncset.done @!p1 $0x0;
	s1 =	smul.u32 @!p2 $0x6, s1  }
0x41: {  	[sflag:s24] =	ssyncadd.s32 @!p1 $0xFFFFE000;
	s0 =	ssub.s32 s26, s0  }
0x42: {  	_ =	swait.ge [sflag:s16], $0x2000;
	s0 =	sand.u32 $0xFF, s0;
	s1 =	ssub.s32 @!p2 s21, s1  }
0x43: {  	[sflag:s16] =	ssyncset.done $0x0;
	s0 =	sshll.u32 s0, $0xD;
	s1 =	sand.u32 @!p2 $0xFF, s1  }
0x44: {  	[sflag:s16] =	ssyncadd.s32 $0xFFFFE000;
	s0 =	sadd.s32 $0x9D00, s0;
	s1 =	sshll.u32 @!p2 s1, $0xD  }
0x45: {  	[spmem:s2] =	stream.indirect.scatter.add.f32 [tilespmem:s0], [sflag:$0x2], $0x40, s23, s11, $0xb8;
	[tilespmem:$0x1FD00] =	vst v63  }
0x46: {  	p0 =	por p2, p2;
	s0 =	sadd.s32 @!p2 $0x9D00, s1;
	s1 =	simm.s32 @!p2 $0x80  }
0x47: {  	[tilespmem:s0], [sflag:$0x1] =	stream.indirect.gather @!p0 [hbm4b:s4+s1], $0x40, s22, s1, $0xb8;
	[tilespmem:$0x1FD00] =	vst v63  }
0x48: {  	_ =	swait.ge [sflag:s17], $0x2000  }
0x49: {  	[sflag:s17] =	ssyncset.done $0x0  }
0x4a: {  	[sflag:s17] =	ssyncadd.s32 $0xFFFFE000  }
0x4b: {  	_ =	swait.ge [sflag:s17], $0x2000  }
0x4c: {  	[sflag:s17] =	ssyncset.done $0x0  }
0x4d: {  	[sflag:s17] =	ssyncadd.s32 $0xFFFFE000  }
0x4e: {  	_ =	swait.ge [sflag:s17], $0x2000  }
0x4f: {  	s20 =	sadd.s32 $0x1, s20;
	[sflag:s17] =	ssyncset.done $0x0  }
0x50: {  	p0 =	sne.s32 s20, s9;
	[sflag:s17] =	ssyncadd.s32 $0xFFFFE000  }
.Ltmp1:
0x51: {  	[bflag:$0x0] =	sbarrier.arrive $0xFFFF;
	(pc) =	sbr.rel @p0 .LBB2_1-.Ltmp1, $4  }
0x52: {  	[hbm:s18], [sflag:s6] =	dma.local [spmem:s10], $0x1400  }
0x53: {  	_ =	swait.ge [sflag:s19], $0x1400  }
0x54: {  	[sflag:s19] =	ssyncset.done $0x0  }
0x55: {  	[sflag:s19] =	ssyncadd.s32 $0xFFFFEC00  }
0x56: {  	_ =	sfence.sel $0x180000  }
0x57: {  	[bflag:$0x0] =	sbarrier.arrive $0xFFFF  }
0x58: {  	_ =	strace $0x9000004A  }
0x59: {  	s0 =	stileid.u32;
	[bflag:$0x2] =	sbarrier.arrive $0xFFFF  }
0x5a: {  	p0 =	sne.s32 s0, $0x0;
	s0 =	rddreg [dreg:$0x3]  }
0x5b: {  	s0 =	sadd.s32 @!p0 $0x100000, s0  }
0x5c: {  	[sflag:s0] =	ssyncadd.tile.s32 @!p0 $0x1;
	_ =	shalt  }
.Lfunc_end2:
_tile_overlayer_lowered:
.L_overlay_start_2:
0x5d: {  	(tag) =	ssettag $0x2  }
0x5e: {  	s0 =	rddreg [dreg:$0x0];
	s2 =	stileid.u32  }
0x5f: {  	s1 =	rddreg [dreg:$0x1];
	p0 =	sne.s32 s2, $0x0  }
0x60: {  	s3 =	rddreg [dreg:$0x2];
	[bflag:$0x3] =	sbarrier.arrive $0xFFFF;
	s2 =	simm.s32 @!p0 $0x1C03  }
0x61: {  	[timem:s3], [sflag:s2] =	dma.local @!p0 [hbm:s0], s1  }
0x62: {  	s0 =	simm.s32 @!p0 $0x3  }
0x63: {  	_ =	swait.ge @!p0 [sflag:s0], s1  }
0x64: {  	s1 =	ssub.s32 @!p0 $0x0, s1;
	[sflag:s0] =	ssyncset.done @!p0 $0x0  }
0x65: {  	[sflag:s0] =	ssyncadd.s32 @!p0 s1  }
0x66: {  	[bflag:$0x3] =	sbarrier.arrive $0xFFFF  }
0x67: {  	_ =	shalt  }

// kernel: kernel.16.cloned.1.call-start
scs
__scs_entry_jumppad:
0x0: {  	(pc) =	sbr.rel $0x88, $3  }
0x1: {  	(tag) =	ssettag $0x0;
	lr =	simm.s32 $0x1  }
0x2: {  	[smem:$0x3F96] =	sst lr;
	_ =	strace $0xD0000000  }
0x3: {  	_ = 	snop  }
0x4: {  	_ = 	snop  }
0x5: {  	_ = 	snop  }
0x6: {  	_ = 	snop  }
0x7: {  	_ = 	snop  }
__scs_overlays_trampoline_lowered:
0x8: {  	[smem:$0x3FA5] =	sst s0  }
0x9: {  	[smem:$0x3FA6] =	sst s1  }
0xa: {  	[smem:$0x3FA7] =	sst s2  }
0xb: {  	[smem:$0x3FA8] =	sst s3  }
0xc: {  	[smem:$0x3FA9] =	sst s4  }
0xd: {  	[smem:$0x3FAA] =	sst s5  }
0xe: {  	[smem:$0x3FAB] =	sst s6  }
0xf: {  	[smem:$0x3FAC] =	sst s7  }
0x10: {  	[smem:$0x3FAD] =	sst s8  }
0x11: {  	[smem:$0x3FAE] =	sst s9;
	s0 =	simm.s32 @!p0 $0x0  }
0x12: {  	s1 =	sld [smem:$0x3F94];
	s0 =	simm.s32 @p0 $0x1  }
0x13: {  	[smem:$0x3FAF] =	sst s0;
	s0 =	simm.s32 @!p1 $0x0  }
0x14: {  	s2 =	sld [smem:$0x3F93];
	s0 =	simm.s32 @p1 $0x1  }
0x15: {  	[smem:$0x3FB0] =	sst s0;
	s0 =	simm.s32 @!p2 $0x0  }
0x16: {  	s3 =	sld [smem:$0x3FDB];
	s0 =	simm.s32 @p2 $0x1  }
0x17: {  	s4 =	simm.s32 $0x1BF5;
	[smem:$0x3FB2] =	sst s0  }
0x18: {  	s0 =	sld [smem:$0x3F95];
	_ =	swait.ge [sflag:s4], $0x0  }
0x19: {  	s7 =	sld [smem:$0x3F96]  }
0x1a: {  	s8 =	sadd.s32 $0xFFFFE003, lr  }
0x1b: {  	s9 =	sadd.s32 $0xFFFFFEF7, lr;
	s5 =	simm.s32 $0xFFFFFFFF;
	p2 =	slt.u32 s8, $0xFFFFF086  }
0x1c: {  	p1 =	slt.u32 s9, $0xF7A;
	s5 =	simm.s32 @!p2 $0x0  }
0x1d: {  	s5 =	simm.s32 @p1 $0x1;
	p0 =	seq.s32 s7, s2  }
0x1e: {  	s7 =	smul.u32 @!p0 $0xF7A, s2;
	p2 =	seq.s32 @!p0 s5, $0x0  }
0x1f: {  	s9 =	smul.u32 $0xF7A, s1;
	s8 =	simm.s32 @!p0 $0x1BF5;
	p2 =	por !p2, p0  }
0x20: {  	[sflag:s8] =	ssyncset.s32 @!p0 $0xFFFFF086;
	s6 =	sadd.s32 @!p0 s3, s7;
	s7 =	simm.s32 @!p0 $0x108  }
0x21: {  	s3 =	sadd.s32 s3, s9;
	s6 =	sadd.s32 @!p0 $0x88, s6;
	s7 =	simm.s32 @p2 $0x1082  }
0x22: {  	[simem:s7], [sflag:s8] =	dma.local @!p0 [hbm:s6], $0xF7A  }
0x23: {  	s9 =	sor.u32 $0xD0000000, s2;
	s6 =	simm.s32 $0x108;
	_ =	swait.ge @!p0 [sflag:s8], $0x0  }
0x24: {  	s3 =	sadd.s32 $0x88, s3;
	s6 =	simm.s32 @!p1 $0x1082;
	[sflag:s4] =	ssyncset.s32 $0xFFFFF086  }
0x25: {  	[simem:s6], [sflag:s4] =	dma.local [hbm:s3], $0xF7A  }
0x26: {  	[smem:$0x3F96] =	sst s1;
	(tag) =	ssettag s2;
	_ =	strace s9  }
0x27: {  	s1 =	sld [smem:$0x3FA6]  }
0x28: {  	s2 =	sld [smem:$0x3FA7]  }
0x29: {  	s4 =	sld [smem:$0x3FA9]  }
0x2a: {  	p0 =	seq.s32 s5, $0x0;
	s5 =	sld [smem:$0x3FAA]  }
0x2b: {  	s6 =	sld [smem:$0x3FAB]  }
0x2c: {  	s7 =	sld [smem:$0x3FAC]  }
0x2d: {  	s3 =	simm.s32 $0x108;
	s8 =	sld [smem:$0x3FAD]  }
0x2e: {  	s3 =	simm.s32 @!p0 $0x1082;
	s9 =	sld [smem:$0x3FAE]  }
0x2f: {  	lr =	sadd.s32 s0, s3;
	s0 =	sld [smem:$0x3FA5]  }
0x30: {  	s3 =	sld [smem:$0x3FA8]  }
0x31: {  	[smem:$0x3FB1] =	sst s10  }
0x32: {  	s10 =	sld [smem:$0x3FAF];
	_ =	sdelay $0x3  }
0x33: {  	p0 =	seq.s32 s10, $0x1;
	s10 =	sld [smem:$0x3FB1];
	_ =	sdelay $0x3  }
0x34: {  	[smem:$0x3FB1] =	sst s10  }
0x35: {  	s10 =	sld [smem:$0x3FB0];
	_ =	sdelay $0x3  }
0x36: {  	p1 =	seq.s32 s10, $0x1;
	s10 =	sld [smem:$0x3FB1];
	_ =	sdelay $0x3  }
0x37: {  	[smem:$0x3FB1] =	sst s10  }
0x38: {  	s10 =	sld [smem:$0x3FB2]  }
0x39: {  	_ = 	snop;
	(pc) =	sbr.ind lr, $3  }
0x3a: {  	_ = 	snop  }
0x3b: {  	_ = 	snop  }
0x3c: {  	p2 =	seq.s32 s10, $0x1;
	s10 =	sld [smem:$0x3FB1]  }
0x3d: {  	_ =	shalt  }
0x3e: {  	_ =	shalt  }
0x3f: {  	_ =	shalt  }
0x40: {  	_ =	shalt  }
0x41: {  	_ =	shalt  }
0x42: {  	_ =	shalt  }
0x43: {  	_ =	shalt  }
0x44: {  	_ =	shalt  }
0x45: {  	_ =	shalt  }
0x46: {  	_ =	shalt  }
0x47: {  	_ =	shalt  }
0x48: {  	_ =	shalt  }
0x49: {  	_ =	shalt  }
0x4a: {  	_ =	shalt  }
0x4b: {  	_ =	shalt  }
0x4c: {  	_ =	shalt  }
0x4d: {  	_ =	shalt  }
0x4e: {  	_ =	shalt  }
0x4f: {  	_ =	shalt  }
0x50: {  	_ =	shalt  }
0x51: {  	_ =	shalt  }
0x52: {  	_ =	shalt  }
0x53: {  	_ =	shalt  }
0x54: {  	_ =	shalt  }
0x55: {  	_ =	shalt  }
0x56: {  	_ =	shalt  }
0x57: {  	_ =	shalt  }
0x58: {  	_ =	shalt  }
0x59: {  	_ =	shalt  }
0x5a: {  	_ =	shalt  }
0x5b: {  	_ =	shalt  }
0x5c: {  	_ =	shalt  }
0x5d: {  	_ =	shalt  }
0x5e: {  	_ =	shalt  }
0x5f: {  	_ =	shalt  }
0x60: {  	_ =	shalt  }
0x61: {  	_ =	shalt  }
0x62: {  	_ =	shalt  }
0x63: {  	_ =	shalt  }
0x64: {  	_ =	shalt  }
0x65: {  	_ =	shalt  }
0x66: {  	_ =	shalt  }
0x67: {  	_ =	shalt  }
0x68: {  	_ =	shalt  }
0x69: {  	_ =	shalt  }
0x6a: {  	_ =	shalt  }
0x6b: {  	_ =	shalt  }
0x6c: {  	_ =	shalt  }
0x6d: {  	_ =	shalt  }
0x6e: {  	_ =	shalt  }
0x6f: {  	_ =	shalt  }
0x70: {  	_ =	shalt  }
0x71: {  	_ =	shalt  }
0x72: {  	_ =	shalt  }
0x73: {  	_ =	shalt  }
0x74: {  	_ =	shalt  }
0x75: {  	_ =	shalt  }
0x76: {  	_ =	shalt  }
0x77: {  	_ =	shalt  }
0x78: {  	_ =	shalt  }
0x79: {  	_ =	shalt  }
0x7a: {  	_ =	shalt  }
0x7b: {  	_ =	shalt  }
0x7c: {  	_ =	shalt  }
0x7d: {  	_ =	shalt  }
0x7e: {  	_ =	shalt  }
0x7f: {  	_ =	shalt  }
0x80: {  	_ =	shalt  }
0x81: {  	_ =	shalt  }
0x82: {  	_ =	shalt  }
0x83: {  	_ =	shalt  }
0x84: {  	_ =	shalt  }
0x85: {  	_ =	shalt  }
0x86: {  	_ =	shalt  }
0x87: {  	_ =	shalt  }
.Lfunc_end0:
.L_simem_size_0:
called_computation.2_lowered:
.L_overlay_start_0:
0x88: {  	s2 =	sld [smem:$0x3FD9]  }
0x89: {  	s3 =	sld [smem:$0x3FFE];
	_ =	sdelay $0x1  }
0x8a: {  	s1 =	srdreg.scid  }
0x8b: {  	s0 =	sand.u32 $0x1, s1  }
0x8c: {  	s17 =	sshll.u32 s0, $0xA;
	s2 =	sadd.s32 s3, s2  }
0x8d: {  	s2 =	sadd.s32 s2, s17  }
0x8e: {  	[smem:$0x3FBD] =	sst s2  }
0x8f: {  	_ = 	snop  }
0x90: {  	s2 =	sld [smem:$0x3FD0];
	(tm) =	ssettm $0x1  }
0x91: {  	s18 =	sld [smem:$0x3FFB];
	_ =	sdelay $0x3  }
0x92: {  	_ =	strace s18  }
0x93: {  	s3 =	sld [smem:$0x3FFC];
	_ =	sdelay $0x3  }
0x94: {  	_ =	strace s3  }
0x95: {  	s3 =	sld [smem:$0x3FFD];
	_ =	sdelay $0x3  }
0x96: {  	_ =	strace s3  }
0x97: {  	_ =	strace $0x8FFFFFFF  }
0x98: {  	s19 =	sld [smem:$0x3FDB];
	_ =	sdelay $0x1  }
0x99: {  	s4 =	simm.s32 $_scs_section_size  }
0x9a: {  	s5 =	simm.s32 $_size__tile_overlayer_lowered;
	s6 =	simm.s32 $_tile_overlayer_lowered  }
0x9b: {  	s22 =	simm.s32 $0x1BFF;
	s21 =	sshll.u32 s6, $0x1;
	s3 =	sadd.s32 s4, s19  }
0x9c: {  	s7 =	simm.s32 $0x0;
	s20 =	sshll.u32 s5, $0x1;
	s5 =	sadd.s32 s21, s3  }
0x9d: {  	[timem:s7], [sflag:s22] =	dma.local [hbm:s5], s20  }
0x9e: {  	_ =	swait.ge [sflag:s22], s20  }
0x9f: {  	s4 =	ssub.s32 $0x0, s20;
	[sflag:s22] =	ssyncset.done $0x0  }
0xa0: {  	[sflag:s22] =	ssyncadd.s32 s4;
	_ =	sdelay $0x1  }
0xa1: {  	s23 =	simm.s32 $0x1B8B  }
0xa2: {  	_ =	swait.ge [sflag:s23], $0x1  }
0xa3: {  	[sflag:s23] =	ssyncset.done $0x0  }
0xa4: {  	s25 =	simm.s32 $0x1B8E;
	s24 =	sld [smem:$0x3FFE];
	[sflag:s23] =	ssyncadd.s32 $0xFFFFFFFF  }
0xa5: {  	s26 =	simm.s32 $execute0_lowered;
	[smem:$0x3FD2] =	sst s25  }
0xa6: {  	s5 =	sshll.u32 s26, $0x1;
	_ =	strace $0x8000004C;
	[dreg:$0x1] =	wrdreg $0xFFFFFFFF  }
0xa7: {  	s28 =	simm.s32 $_size_execute0_lowered;
	s3 =	sadd.s32 s3, s5;
	[dreg:$0x0] =	wrdreg $0x0  }
0xa8: {  	s5 =	sshll.u32 s28, $0x1;
	[dreg:$0x2] =	wrdreg s3  }
0xa9: {  	[dreg:$0x3] =	wrdreg s5  }
0xaa: {  	[dreg:$0x4] =	wrdreg $0xC0  }
0xab: {  	_ =	task [dreg:s7], $0x5FFFF  }
0xac: {  	[dreg:$0x1] =	wrdreg $0xFFFFFFFF  }
0xad: {  	[dreg:$0x0] =	wrdreg $0x60  }
0xae: {  	[dreg:$0x2] =	wrdreg s24  }
0xaf: {  	[dreg:$0x3] =	wrdreg s2  }
0xb0: {  	[dreg:$0x4] =	wrdreg $0x15D000  }
0xb1: {  	[dreg:$0x5] =	wrdreg $0x9  }
0xb2: {  	_ =	task.clear_ibuf [dreg:s7], $0x6FFFF;
	_ =	strace $0x9000004C  }
0xb3: {  	s29 =	simm.s32 $0x9;
	_ =	strace $0x8000004E  }
0xb4: {  	_ =	swait.ge [sflag:s29], $0x1  }
0xb5: {  	[sflag:s29] =	ssyncadd.s32 $0xFFFFFFFF  }
0xb6: {  	_ =	strace $0x9000004E  }
0xb7: {  	_ =	sfence  }
0xb8: {  	s30 =	sld [smem:$0x0];
	_ =	sdelay $0x2  }
0xb9: {  	s31 =	sshll.u32 s1, $0xD;
	s1 =	sshrl.u32 s1, $0x2  }
0xba: {  	s3 =	sand.u32 $0x4000, s31;
	s1 =	sadd.s32 s1, s30  }
0xbb: {  	s0 =	sor.u32 s3, s0;
	s1 =	sshll.u32 s1, $0x11  }
0xbc: {  	s0 =	sor.u32 s1, s0  }
0xbd: {  	s0 =	sadd.s32 $0x8F2B, s0  }
0xbe: {  	[sflag:s0] =	ssyncadd.remote.s32 $0x1  }
0xbf: {  	_ =	sfence.sel $0xFFFF  }
0xc0: {  	[dreg:$0x0] =	wrdreg $0xFFFFFFFF;
	(pc) =	sbr.abs _section_cstart, $3  }
0xc1: {  	[dreg:$0x1] =	wrdreg $0xFFFFFFFF  }
0xc2: {  	_ =	task.clear_ibuf [dreg:s7], $0x2FFFF;
	_ =	strace $0x9FFFFFFF  }
0xc3: {  	(tm) =	ssettm $0x7FFFFFFF  }
tec
execute0_lowered:
.L_overlay_start_1:
0x0: {  	(tag) =	ssettag $0x1  }
0x1: {  	s5 =	rddreg [dreg:$0x0]  }
0x2: {  	s0 =	srdreg.scid;
	s6 =	rddreg [dreg:$0x1]  }
0x3: {  	s30 =	stileid.u32;
	s2 =	rddreg [dreg:$0x2];
	s3 =	simm.s32 $0x0  }
0x4: {  	s13 =	simm.s32 $0xBD00;
	s14 =	simm.s32 $0x100;
	s15 =	simm.s32 $0xDD00  }
0x5: {  	s16 =	simm.s32 $0x1;
	s17 =	simm.s32 $0x2;
	s20 =	simm.s32 $0x0  }
0x6: {  	s4 =	sand.u32 $0x1, s0;
	[smem:$0x7FF] =	sst s3;
	s8 =	smul.u32 $0x9D0, s30  }
0x7: {  	s11 =	smul.u32 $0xA000, s30;
	s12 =	sshll.u32 s30, $0x6;
	s1 =	sshll.u32 s4, $0x4  }
0x8: {  	_ =	strace $0x8000004D;
	s9 =	smul.u32 $0x14000, s4;
	s10 =	ssub.s32 $0x2, s4  }
0x9: {  	s4 =	sadd.s32 $0x80600, s5;
	s7 =	sor.u32 s30, s1;
	s8 =	sadd.s32 s8, s5  }
0xa: {  	s31 =	sshrl.u32 s10, $0x1;
	s18 =	sshrl.u32 s11, $0x3;
	s11 =	sadd.s32 s11, s2  }
0xb: {  	s7 =	smul.u32 $0x9D0, s7;
	s9 =	sadd.s32 s9, s5;
	s10 =	ssub.s32 s10, s31  }
0xc: {  	s8 =	sadd.s32 $0x26800, s8;
	s19 =	sadd.s32 $0xA8600, s9;
	s9 =	smax.u32 s10, $0x1  }
0xd: {  	s10 =	sshrl.u32 s11, $0x3;
	s11 =	simm.s32 $0x80;
	s7 =	sadd.s32 s7, s5  }
0xe: {  	s5 =	sadd.s32 s6, s18;
	s6 =	sor.u32 $0x1C03, s12;
	s12 =	simm.s32 $0x9D00  }
0xf: {  	s18 =	sadd.s32 s18, s19;
	s19 =	simm.s32 $0x3;
	s7 =	sadd.s32 $0x12E00, s7  }
.LBB2_1:
0x10: {  	[spmem:s10], [sflag:s6] =	dma.local [hbm:s5], $0x1400  }
0x11: {  	_ =	swait.ge [sflag:s19], $0x1400  }
0x12: {  	[sflag:s19] =	ssyncset.done $0x0  }
0x13: {  	[sflag:s19] =	ssyncadd.s32 $0xFFFFEC00  }
0x14: {  	[tilespmem:s3], [sflag:$0x3] =	stream.linear.gather [hbm4b:s7+s3], $0x4E80, $0x38;
	[tilespmem:$0x1FD00] =	vst v63  }
0x15: {  	_ =	swait.ge [sflag:s19], $0x4E80  }
0x16: {  	[sflag:s19] =	ssyncset.done $0x0  }
0x17: {  	s23 =	simm.s32 $0x4E80;
	[sflag:s19] =	ssyncadd.s32 $0xFFFFB180  }
0x18: {  	[tilespmem:s23], [sflag:$0x3] =	stream.linear.gather [hbm4b:s8+s3], $0x4E80, $0x38;
	[tilespmem:$0x1FD00] =	vst v63  }
0x19: {  	s21 =	simm.s32 $0x0;
	_ =	swait.ge [sflag:s19], $0x4E80  }
0x1a: {  	s21 =	smul.u32 $0xAB, s21;
	[sflag:s19] =	ssyncset.done $0x0  }
0x1b: {  	[sflag:s19] =	ssyncadd.s32 $0xFFFFB180  }
0x1c: {  	p0 =	por $0x0, $0x0;
	s24 =	sshrl.u32 s21, $0xA;
	[bflag:$0x0] =	sbarrier.arrive $0xFFFF  }
0x1d: {  	[tilespmem:s12], [sflag:$0x1] =	stream.indirect.gather [hbm4b:s4+s11], $0x40, s3, s11, $0xb8;
	[tilespmem:$0x1FD00] =	vst v63  }
0x1e: {  	p1 =	por $0x1, $0x1;
	s22 =	smul.u32 @!p0 $0xAB, s19;
	s24 =	sand.u32 $0x3F, s24  }
0x1f: {  	[tilespmem:s13], [sflag:$0x1] =	stream.indirect.gather [hbm4b:s4+s11], $0x40, s11, s11, $0xb8;
	[tilespmem:$0x1FD00] =	vst v63  }
0x20: {  	s25 =	simm.s32 $0x180;
	s26 =	simm.s32 @!p1 $0x2;
	s28 =	smul.u32 $0x6, s24  }
0x21: {  	[tilespmem:s15], [sflag:$0x1] =	stream.indirect.gather [hbm4b:s4+s11], $0x40, s14, s11, $0xb8;
	[tilespmem:$0x1FD00] =	vst v63  }
0x22: {  	s21 =	simm.s32 $0x4;
	s22 =	sshrl.u32 @!p0 s22, $0xA;
	_ =	swait.ge @!p1 [sflag:s26], $0x2000  }
0x23: {  	s22 =	sand.u32 @!p0 $0x3F, s22;
	s28 =	ssub.s32 $0x0, s28;
	[sflag:s26] =	ssyncset.done @!p1 $0x0  }
0x24: {  	s28 =	sand.u32 $0xFF, s28;
	[sflag:s26] =	ssyncadd.s32 @!p1 $0xFFFFE000;
	s26 =	smul.u32 @!p0 $0x6, s22  }
0x25: {  	s24 =	simm.s32 $0x5;
	s28 =	sshll.u32 s28, $0xD;
	_ =	swait.ge [sflag:s16], $0x2000  }
0x26: {  	s31 =	sadd.s32 $0x9D00, s28;
	s26 =	ssub.s32 @!p0 $0x3, s26;
	[sflag:s16] =	ssyncset.done $0x0  }
0x27: {  	s22 =	simm.s32 $0x200;
	s29 =	sand.u32 @!p0 $0xFF, s26;
	[sflag:s16] =	ssyncadd.s32 $0xFFFFE000  }
0x28: {  	[spmem:s2] =	stream.indirect.scatter.add.f32 [tilespmem:s31], [sflag:$0x2], $0x40, s23, s11, $0xb8;
	[tilespmem:$0x1FD00] =	vst v63  }
0x29: {  	p1 =	por $0x1, $0x1;
	s26 =	simm.s32 $0x1;
	s28 =	sshll.u32 @!p0 s29, $0xD  }
0x2a: {  	s23 =	simm.s32 $0x4F00;
	s29 =	simm.s32 @!p0 $0x80;
	s28 =	sadd.s32 @!p0 $0x9D00, s28  }
.LBB2_2:
0x2b: {  	s30 =	simm.s32 @!p1 $0x2  }
0x2c: {  	s31 =	smul.u32 $0xAB, s26;
	s1 =	smov.u32 s21;
	s21 =	smov.u32 s24  }
0x2d: {  	s0 =	smov.u32 s23;
	p2 =	por p0, p0;
	p0 =	sgt.u32 s26, $0x99  }
0x2e: {  	[tilespmem:s28], [sflag:$0x1] =	stream.indirect.gather @!p2 [hbm4b:s4+s29], $0x40, s25, s29, $0xb8;
	[tilespmem:$0x1FD00] =	vst v63  }
0x2f: {  	s24 =	sadd.s32 $0x1, s24;
	s25 =	smul.u32 @!p0 $0xAB, s1;
	_ =	swait.ge @!p1 [sflag:s30], $0x2000  }
0x30: {  	p2 =	sne.s32 s24, $0xA0;
	s28 =	sshrl.u32 s31, $0xA;
	[sflag:s30] =	ssyncset.done @!p1 $0x0  }
0x31: {  	s28 =	sand.u32 $0x3F, s28;
	s25 =	sshrl.u32 @!p0 s25, $0xA;
	[sflag:s30] =	ssyncadd.s32 @!p1 $0xFFFFE000  }
0x32: {  	s28 =	smul.u32 $0x6, s28;
	s29 =	sand.u32 @!p0 $0x3F, s25;
	s25 =	smov.u32 s22  }
0x33: {  	s23 =	sadd.s32 $0x80, s23;
	s22 =	sadd.s32 $0x80, s22;
	s29 =	smul.u32 @!p0 $0x6, s29  }
0x34: {  	s28 =	ssub.s32 s26, s28;
	s26 =	sadd.s32 $0xFFFFFFFD, s21;
	_ =	swait.ge [sflag:s16], $0x2000  }
.Ltmp0:
0x35: {  	s28 =	sand.u32 $0xFF, s28;
	s1 =	ssub.s32 @!p0 s1, s29;
	(pc) =	sbr.rel @p2 .LBB2_2-.Ltmp0, $4  }
0x36: {  	s28 =	sshll.u32 s28, $0xD;
	s1 =	sand.u32 @!p0 $0xFF, s1;
	[sflag:s16] =	ssyncset.done $0x0  }
0x37: {  	s28 =	sadd.s32 $0x9D00, s28;
	s1 =	sshll.u32 @!p0 s1, $0xD;
	[sflag:s16] =	ssyncadd.s32 $0xFFFFE000  }
0x38: {  	[spmem:s2] =	stream.indirect.scatter.add.f32 [tilespmem:s28], [sflag:$0x2], $0x40, s0, s11, $0xb8;
	[tilespmem:$0x1FD00] =	vst v63  }
0x39: {  	p1 =	slt.u32 s26, $0x3;
	s29 =	simm.s32 @!p0 $0x80;
	s28 =	sadd.s32 @!p0 $0x9D00, s1  }
0x3a: {  	s0 =	smul.u32 $0xAB, s26;
	p2 =	sgt.u32 s26, $0x99;
	p0 =	por p0, p0  }
0x3b: {  	[tilespmem:s28], [sflag:$0x1] =	stream.indirect.gather @!p0 [hbm4b:s4+s29], $0x40, s25, s29, $0xb8;
	[tilespmem:$0x1FD00] =	vst v63  }
0x3c: {  	s1 =	smul.u32 @!p2 $0xAB, s21  }
0x3d: {  	s0 =	sshrl.u32 s0, $0xA  }
0x3e: {  	s24 =	simm.s32 @!p1 $0x2;
	s0 =	sand.u32 $0x3F, s0;
	s1 =	sshrl.u32 @!p2 s1, $0xA  }
0x3f: {  	_ =	swait.ge @!p1 [sflag:s24], $0x2000;
	s0 =	smul.u32 $0x6, s0;
	s1 =	sand.u32 @!p2 $0x3F, s1  }
0x40: {  	[sflag:s24] =	ssyncset.done @!p1 $0x0;
	s1 =	smul.u32 @!p2 $0x6, s1  }
0x41: {  	[sflag:s24] =	ssyncadd.s32 @!p1 $0xFFFFE000;
	s0 =	ssub.s32 s26, s0  }
0x42: {  	_ =	swait.ge [sflag:s16], $0x2000;
	s0 =	sand.u32 $0xFF, s0;
	s1 =	ssub.s32 @!p2 s21, s1  }
0x43: {  	[sflag:s16] =	ssyncset.done $0x0;
	s0 =	sshll.u32 s0, $0xD;
	s1 =	sand.u32 @!p2 $0xFF, s1  }
0x44: {  	[sflag:s16] =	ssyncadd.s32 $0xFFFFE000;
	s0 =	sadd.s32 $0x9D00, s0;
	s1 =	sshll.u32 @!p2 s1, $0xD  }
0x45: {  	[spmem:s2] =	stream.indirect.scatter.add.f32 [tilespmem:s0], [sflag:$0x2], $0x40, s23, s11, $0xb8;
	[tilespmem:$0x1FD00] =	vst v63  }
0x46: {  	p0 =	por p2, p2;
	s0 =	sadd.s32 @!p2 $0x9D00, s1;
	s1 =	simm.s32 @!p2 $0x80  }
0x47: {  	[tilespmem:s0], [sflag:$0x1] =	stream.indirect.gather @!p0 [hbm4b:s4+s1], $0x40, s22, s1, $0xb8;
	[tilespmem:$0x1FD00] =	vst v63  }
0x48: {  	_ =	swait.ge [sflag:s17], $0x2000  }
0x49: {  	[sflag:s17] =	ssyncset.done $0x0  }
0x4a: {  	[sflag:s17] =	ssyncadd.s32 $0xFFFFE000  }
0x4b: {  	_ =	swait.ge [sflag:s17], $0x2000  }
0x4c: {  	[sflag:s17] =	ssyncset.done $0x0  }
0x4d: {  	[sflag:s17] =	ssyncadd.s32 $0xFFFFE000  }
0x4e: {  	_ =	swait.ge [sflag:s17], $0x2000  }
0x4f: {  	s20 =	sadd.s32 $0x1, s20;
	[sflag:s17] =	ssyncset.done $0x0  }
0x50: {  	p0 =	sne.s32 s20, s9;
	[sflag:s17] =	ssyncadd.s32 $0xFFFFE000  }
.Ltmp1:
0x51: {  	[bflag:$0x0] =	sbarrier.arrive $0xFFFF;
	(pc) =	sbr.rel @p0 .LBB2_1-.Ltmp1, $4  }
0x52: {  	[hbm:s18], [sflag:s6] =	dma.local [spmem:s10], $0x1400  }
0x53: {  	_ =	swait.ge [sflag:s19], $0x1400  }
0x54: {  	[sflag:s19] =	ssyncset.done $0x0  }
0x55: {  	[sflag:s19] =	ssyncadd.s32 $0xFFFFEC00  }
0x56: {  	_ =	sfence.sel $0x180000  }
0x57: {  	[bflag:$0x0] =	sbarrier.arrive $0xFFFF  }
0x58: {  	_ =	strace $0x9000004D  }
0x59: {  	s0 =	stileid.u32;
	[bflag:$0x2] =	sbarrier.arrive $0xFFFF  }
0x5a: {  	p0 =	sne.s32 s0, $0x0;
	s0 =	rddreg [dreg:$0x3]  }
0x5b: {  	s0 =	sadd.s32 @!p0 $0x100000, s0  }
0x5c: {  	[sflag:s0] =	ssyncadd.tile.s32 @!p0 $0x1;
	_ =	shalt  }
.Lfunc_end2:
_tile_overlayer_lowered:
.L_overlay_start_2:
0x5d: {  	(tag) =	ssettag $0x2  }
0x5e: {  	s0 =	rddreg [dreg:$0x0];
	s2 =	stileid.u32  }
0x5f: {  	s1 =	rddreg [dreg:$0x1];
	p0 =	sne.s32 s2, $0x0  }
0x60: {  	s3 =	rddreg [dreg:$0x2];
	[bflag:$0x3] =	sbarrier.arrive $0xFFFF;
	s2 =	simm.s32 @!p0 $0x1C03  }
0x61: {  	[timem:s3], [sflag:s2] =	dma.local @!p0 [hbm:s0], s1  }
0x62: {  	s0 =	simm.s32 @!p0 $0x3  }
0x63: {  	_ =	swait.ge @!p0 [sflag:s0], s1  }
0x64: {  	s1 =	ssub.s32 @!p0 $0x0, s1;
	[sflag:s0] =	ssyncset.done @!p0 $0x0  }
0x65: {  	[sflag:s0] =	ssyncadd.s32 @!p0 s1  }
0x66: {  	[bflag:$0x3] =	sbarrier.arrive $0xFFFF  }
0x67: {  	_ =	shalt  }

</sc_bundles>
